<compile_context>
chip_gen: v7x
topology: tpu7x:2x2x1
jax: 0.10.2.dev20260603
libtpu: 0.0.44.dev20260713+nightly
codegen_flags: <defaults>
</compile_context>

<pallas_src>
import functools

import jax
import jax.numpy as jnp
from jax import lax
from jax.experimental import pallas as pl
from jax.experimental.pallas import tpu as pltpu
from jax.experimental.pallas import tpu_sc as plsc

NC, NS, LANES = 2, 16, 16
NW = NC * NS



def _pre_body(h_ref, w_ref, b_ref, o_ref):
    o_ref[...] = (
        jnp.dot(h_ref[...], w_ref[...], preferred_element_type=jnp.float32)
        + b_ref[...]
    )


def _project(h2, w1h, b1):
    rows, d = h2.shape
    blk = 1024
    return pl.pallas_call(
        _pre_body,
        grid=(rows // blk,),
        in_specs=[
            pl.BlockSpec((blk, d), lambda i: (i, 0)),
            pl.BlockSpec((d, d), lambda i: (0, 0)),
            pl.BlockSpec((1, d), lambda i: (0, 0)),
        ],
        out_specs=pl.BlockSpec((blk, d), lambda i: (i, 0)),
        out_shape=jax.ShapeDtypeStruct((rows, d), jnp.float32),
    )(h2, w1h, b1)



def _make_gather(n_nodes, n_batches, n_edges, d, gw, k_deg):
    e_tile = n_edges // NW
    edges_per_batch = n_edges // n_batches
    G = 128

    mesh = plsc.VectorSubcoreMesh(
        core_axis_name="c", subcore_axis_name="s", num_cores=NC,
        num_subcores=NS)

    steps = e_tile // G
    zrow = n_nodes * n_batches

    def _rsqrt(x):
        i = plsc.bitcast(x, jnp.int32)
        i = jnp.int32(0x5F3759DF) - lax.shift_right_logical(i, 1)
        y = plsc.bitcast(i, jnp.float32)
        for _ in range(3):
            y = y * (1.5 - 0.5 * x * y * y)
        return y

    def body(pre_hbm, geo_hbm, idx_hbm, mask_hbm, epre_hbm, egeo_hbm,
             idx_all, mask_all, fidx_all, geo_tab, geo_all, rows0, rows1,
             sem_g0, sem_g1, sem_w0, sem_w1):
        wid = lax.axis_index("s") * NC + lax.axis_index("c")
        base = wid * e_tile
        boff = (base // edges_per_batch) * n_nodes
        pltpu.sync_copy(idx_hbm.at[pl.ds(base, e_tile)], idx_all)
        pltpu.sync_copy(mask_hbm.at[pl.ds(base, e_tile)], mask_all)
        pltpu.sync_copy(geo_hbm.at[pl.ds(boff * gw, n_nodes * gw)], geo_tab)

        lane = jnp.arange(LANES, dtype=jnp.int32)

        def fill(i, _):
            sl = pl.ds(i * LANES, LANES)
            ids = idx_all[sl]
            m = mask_all[sl]
            fidx_all[sl] = jnp.where(m > 0.5, ids + boff, zrow)
            gids = ids * gw
            cids = ((base + i * LANES + lane) // k_deg - boff) * gw
            eidx = (i * LANES + lane) * gw
            rel = []
            for c in range(gw):
                nbr = plsc.load_gather(geo_tab, [gids + c])
                ctr = plsc.load_gather(geo_tab, [cids + c])
                rel.append(nbr - ctr)
            d2 = rel[0] * rel[0] + rel[1] * rel[1] + 1e-12
            dist = d2 * _rsqrt(d2) + 1e-6
            r2 = rel[2] * rel[2] + rel[3] * rel[3] + 1e-12
            rs = r2 * _rsqrt(r2)
            plsc.store_scatter(geo_all, [eidx + 0], rel[0] * m)
            plsc.store_scatter(geo_all, [eidx + 1], rel[1] * m)
            plsc.store_scatter(geo_all, [eidx + 2], dist * m)
            plsc.store_scatter(geo_all, [eidx + 3], rs * m)
            return 0

        lax.fori_loop(0, e_tile // LANES, fill, 0)

        rows = (rows0, rows1)
        sem_g = (sem_g0, sem_g1)
        sem_w = (sem_w0, sem_w1)

        def gather(c, b):
            pltpu.async_copy(
                pre_hbm.at[fidx_all.at[pl.ds(c * G, G)]], rows[b], sem_g[b])

        def wait_gather(c, b):
            pltpu.make_async_copy(
                pre_hbm.at[fidx_all.at[pl.ds(c * G, G)]], rows[b],
                sem_g[b]).wait()

        def write(c, b):
            pltpu.async_copy(
                rows[b], epre_hbm.at[pl.ds(base + c * G, G)], sem_w[b])

        def wait_write(c, b):
            pltpu.make_async_copy(
                rows[b], epre_hbm.at[pl.ds(base + c * G, G)],
                sem_w[b]).wait()

        gather(0, 0)
        gather(1, 1)
        wait_gather(0, 0)
        write(0, 0)

        def pair(p, _):
            for b in (0, 1):
                c = 2 * p + b
                wait_write(c - 2, b)
                gather(c, b)
                wait_gather(c - 1, 1 - b)
                write(c - 1, 1 - b)
            return 0

        lax.fori_loop(1, steps // 2, pair, 0)

        last = steps - 1
        wait_gather(last, last % 2)
        write(last, last % 2)
        wait_write(last - 1, (last - 1) % 2)
        wait_write(last, last % 2)
        pltpu.sync_copy(geo_all, egeo_hbm.at[pl.ds(base * gw, e_tile * gw)])

    return pl.kernel(
        body,
        out_type=(
            jax.ShapeDtypeStruct((n_edges, d), jnp.float32),
            jax.ShapeDtypeStruct((n_edges * gw,), jnp.float32),
        ),
        mesh=mesh,
        scratch_types=[
            pltpu.VMEM((e_tile,), jnp.int32),
            pltpu.VMEM((e_tile,), jnp.float32),
            pltpu.VMEM((e_tile,), jnp.int32),
            pltpu.VMEM((n_nodes * gw,), jnp.float32),
            pltpu.VMEM((e_tile * gw,), jnp.float32),
            pltpu.VMEM((G, d), jnp.float32),
            pltpu.VMEM((G, d), jnp.float32),
            pltpu.SemaphoreType.DMA,
            pltpu.SemaphoreType.DMA,
            pltpu.SemaphoreType.DMA,
            pltpu.SemaphoreType.DMA,
        ],
        compiler_params=pltpu.CompilerParams(needs_layout_passes=False),
    )



def _node_body(ep_ref, eg_ref, mask_ref, h_ref, crowd_ref,
               wg_ref, w2_ref, b2_ref, nw1_ref, nw2_ref, nw3_ref, nb_ref,
               lng_ref, lnb_ref, o_ref):
    blk, k, d = ep_ref.shape
    ep = ep_ref[...]
    eg = eg_ref[...]
    mask = mask_ref[...]

    geomvec = jnp.dot(
        eg, wg_ref[...],
        preferred_element_type=jnp.float32).reshape(blk, k, d)

    eh = jnp.maximum(ep + geomvec, 0.0)
    s = jnp.sum(eh, axis=1)
    msum = jnp.sum(mask, axis=1, keepdims=True)

    agg = (jnp.dot(s, w2_ref[...], preferred_element_type=jnp.float32)
           + msum * b2_ref[...]) / (msum + 1e-6)

    c = crowd_ref[...]
    mu = jnp.mean(c, axis=-1, keepdims=True)
    var = jnp.mean((c - mu) ** 2, axis=-1, keepdims=True)
    c1 = (c - mu) / jnp.sqrt(var + 1e-5) * lng_ref[...] + lnb_ref[...]

    node = (jnp.dot(h_ref[...], nw1_ref[...], preferred_element_type=jnp.float32)
            + jnp.dot(agg, nw2_ref[...], preferred_element_type=jnp.float32)
            + jnp.dot(c1, nw3_ref[...], preferred_element_type=jnp.float32)
            + nb_ref[...])
    o_ref[...] = jnp.maximum(node, 0.0)


def _node_stage(ep3, eg3, mask2, h2, crowd2,
                wg, w2, b2, nw1, nw2, nw3, nb, lng, lnb):
    rows, k, d = ep3.shape
    gw = eg3.shape[-1]
    cw = crowd2.shape[-1]
    out_w = nw1.shape[1]
    blk = 128
    grid = (rows // blk,)
    full = lambda shape: pl.BlockSpec(shape, lambda i: tuple(0 for _ in shape))
    return pl.pallas_call(
        _node_body,
        grid=grid,
        in_specs=[
            pl.BlockSpec((blk, k, d), lambda i: (i, 0, 0)),
            pl.BlockSpec((blk * k, gw), lambda i: (i, 0)),
            pl.BlockSpec((blk, k), lambda i: (i, 0)),
            pl.BlockSpec((blk, d), lambda i: (i, 0)),
            pl.BlockSpec((blk, cw), lambda i: (i, 0)),
            full((4, d)),
            full((d, out_w)),
            full((1, out_w)),
            full((d, out_w)),
            full((d, out_w)),
            full((cw, out_w)),
            full((1, out_w)),
            full((1, cw)),
            full((1, cw)),
        ],
        out_specs=pl.BlockSpec((blk, out_w), lambda i: (i, 0)),
        out_shape=jax.ShapeDtypeStruct((rows, out_w), jnp.float32),
    )(ep3, eg3, mask2, h2, crowd2,
      wg, w2, b2, nw1, nw2, nw3, nb, lng, lnb)



def kernel(h, pos, vel, acc, crowd, mask, idex, hist,
           e_w1, e_b1, e_w2, e_b2, n_w, n_b, ln_g, ln_b):
    B, N, D = h.shape
    K = idex.shape[-1]
    OUT = e_w2.shape[1]
    CW = crowd.shape[-1]
    n_edges = B * N * K

    h2 = h.reshape(B * N, D)
    pre = _project(h2, e_w1[:D], e_b1.reshape(1, OUT))

    pre_pad = jnp.concatenate([pre, jnp.zeros((8, D), jnp.float32)], axis=0)
    geo_t = jnp.concatenate([pos, vel], axis=-1).reshape(B * N * 4)
    idx_flat = idex.reshape(n_edges)
    mask_flat = mask.reshape(n_edges)

    epre, egeo = _make_gather(N, B, n_edges, D, 4, K)(
        pre_pad, geo_t, idx_flat, mask_flat)

    out = _node_stage(
        epre.reshape(B * N, K, D),
        egeo.reshape(n_edges, 4),
        mask.reshape(B * N, K),
        h2,
        crowd.reshape(B * N, CW),
        e_w1[D:D + 4],
        e_w2,
        e_b2.reshape(1, OUT),
        n_w[:D],
        n_w[D:2 * D],
        n_w[2 * D:],
        n_b.reshape(1, OUT),
        ln_g.reshape(1, CW),
        ln_b.reshape(1, CW),
    )
    return out.reshape(B, N, OUT)

# --- scband reference (transcript-rebuilt; emitter-appended) ---
"""Pipeline reference for scband-weighted-graph-layer-35424890257853 (READ-ONLY COPY).

The authoritative reference and input builder live on the scoring server;
editing this copy changes nothing except your own understanding.
"""

import jax, jax.numpy as jnp
import numpy as np

B, N, K, D = 4, 2048, 32, 128
OUT = 128
CROWD = 5


def _gather_nodes(x, m):
    # x: [B, N, C], m: [B, N, K] int -> [B, N, K, C]; mirrors torch.gather along node dim
    Bb, Nn, C = x.shape
    Kk = m.shape[-1]
    xe = jnp.broadcast_to(x[:, :, None, :], (Bb, Nn, Kk, C))
    idx = jnp.broadcast_to(m[:, :, :, None], (Bb, Nn, Kk, C))
    return jnp.take_along_axis(xe, idx, axis=1)


def _safe_norm(x, axis=-1, keepdims=False):
    # torch.norm; tiny eps inside sqrt keeps vjp finite at exact zeros
    return jnp.sqrt(jnp.sum(x * x, axis=axis, keepdims=keepdims) + 1e-12)


def setup_inputs(seed: int = 0) -> dict:
    key = jax.random.key(seed)
    ks = jax.random.split(key, 12)
    s = 0.05
    h = jax.random.normal(ks[0], (B, N, D), jnp.float32)
    pos = jax.random.normal(ks[1], (B, N, 2), jnp.float32)
    vel = jax.random.normal(ks[2], (B, N, 2), jnp.float32)
    acc = jax.random.normal(ks[3], (B, N, 2), jnp.float32)
    crowd = jax.random.normal(ks[4], (B, N, CROWD), jnp.float32)
    mask = jax.random.randint(ks[5], (B, N, K), 0, 2).astype(jnp.float32)
    idex = jax.random.randint(ks[6], (B, N, K), 0, N).astype(jnp.int32)
    hist = jax.random.normal(ks[7], (B, N, 2), jnp.float32)
    # parameters (sim=0 -> a=4): edge_mlp Linear(D+4, OUT) -> ReLU -> Linear(OUT, OUT)
    e_w1 = jax.random.normal(ks[8], (D + 4, OUT), jnp.float32) * s
    e_b1 = jnp.zeros((OUT,), jnp.float32)
    e_w2 = jax.random.normal(ks[9], (OUT, OUT), jnp.float32) * s
    e_b2 = jnp.zeros((OUT,), jnp.float32)
    # node_update Linear(2*D + CROWD, OUT) -> ReLU
    n_w = jax.random.normal(ks[10], (2 * D + CROWD, OUT), jnp.float32) * s
    n_b = jnp.zeros((OUT,), jnp.float32)
    ln_g = jnp.ones((CROWD,), jnp.float32)
    ln_b = jnp.zeros((CROWD,), jnp.float32)
    return {"h": h, "pos": pos, "vel": vel, "acc": acc, "crowd": crowd,
            "mask": mask, "idex": idex, "hist": hist,
            "e_w1": e_w1, "e_b1": e_b1, "e_w2": e_w2, "e_b2": e_b2,
            "n_w": n_w, "n_b": n_b, "ln_g": ln_g, "ln_b": ln_b}


def reference(h, pos, vel, acc, crowd, mask, idex, hist,
              e_w1, e_b1, e_w2, e_b2, n_w, n_b, ln_g, ln_b):
    m = (idex.astype(jnp.float32) * mask).astype(jnp.int32)
    neigh_pos = _gather_nodes(pos, m)
    neigh_vel = _gather_nodes(vel, m)
    h_neigh = _gather_nodes(h, m)
    rel_pos = neigh_pos - pos[:, :, None, :]
    distance = _safe_norm(rel_pos, axis=-1) + 1e-6
    rel_speed = _safe_norm(vel[:, :, None, :] - neigh_vel, axis=-1, keepdims=True)
    # sim == 0 branch
    edge_input = jnp.concatenate([h_neigh, rel_pos, distance[..., None], rel_speed], axis=-1)
    eh = jnp.maximum(edge_input @ e_w1 + e_b1, 0.0)
    edge_feat = (eh @ e_w2 + e_b2) * mask[..., None]
    agg = edge_feat.sum(2) / (mask.sum(2, keepdims=True) + 1e-6)
    mu = jnp.mean(crowd, axis=-1, keepdims=True)
    var = jnp.mean((crowd - mu) ** 2, axis=-1, keepdims=True)
    crowd1 = (crowd - mu) / jnp.sqrt(var + 1e-5) * ln_g + ln_b
    node_input = jnp.concatenate([h, agg, crowd1], axis=-1)
    return jnp.maximum(node_input @ n_w + n_b, 0.0)

if __name__ == "__main__":
    import jax
    _d = setup_inputs()
    print(jax.jit(kernel)(*tuple(_d.values())))

</pallas_src>

<mosaic_0001>
#map = affine_map<(d0, d1) -> (0, 0)>
#map1 = affine_map<(d0, d1) -> (0)>
module attributes {stable_mosaic.version = 14 : i64} {
  func.func @body(%arg0: i32, %arg1: i32, %arg2: memref<8200x128xf32, #tpu.memory_space<hbm>>, %arg3: memref<32768xf32, #tpu.memory_space<hbm>>, %arg4: memref<262144xi32, #tpu.memory_space<hbm>>, %arg5: memref<262144xf32, #tpu.memory_space<hbm>>, %arg6: memref<262144x128xf32, #tpu.memory_space<hbm>>, %arg7: memref<1048576xf32, #tpu.memory_space<hbm>>, %arg8: memref<8192xi32, #tpu.memory_space<vmem>>, %arg9: memref<8192xf32, #tpu.memory_space<vmem>>, %arg10: memref<8192xi32, #tpu.memory_space<vmem>>, %arg11: memref<8192xf32, #tpu.memory_space<vmem>>, %arg12: memref<32768xf32, #tpu.memory_space<vmem>>, %arg13: memref<128x128xf32, #tpu.memory_space<vmem>>, %arg14: memref<128x128xf32, #tpu.memory_space<vmem>>, %arg15: memref<!tpu.dma_semaphore, #tpu.memory_space<semaphore_mem>>, %arg16: memref<!tpu.dma_semaphore, #tpu.memory_space<semaphore_mem>>, %arg17: memref<!tpu.dma_semaphore, #tpu.memory_space<semaphore_mem>>, %arg18: memref<!tpu.dma_semaphore, #tpu.memory_space<semaphore_mem>>) attributes {dimension_semantics = [#tpu.dimension_semantics<core_parallel>, #tpu.dimension_semantics<subcore_parallel>], iteration_bounds = array<i64: 2, 16>, scalar_prefetch = 0 : i64, scratch_operands = 11 : i64, tpu.core_type = #tpu.core_type<sc_vector_subcore>, window_params = [{transform_indices = #map}, {transform_indices = #map1}, {transform_indices = #map1}, {transform_indices = #map1}, {transform_indices = #map}, {transform_indices = #map1}]} {
    %mul3A = arith.constant 2 : i32
    %mul3A_0 = arith.muli %arg1, %mul3A : i32
    %add3A = arith.addi %mul3A_0, %arg0 : i32
    %mul3A_1 = arith.constant 8192 : i32
    %mul3A_2 = arith.muli %add3A, %mul3A_1 : i32
    %jit3A = arith.constant 65536 : i32
    %div3A = arith.divsi %mul3A_2, %jit3A : i32
    %sign3A = arith.constant 0 : i32
    %sign3A_3 = arith.cmpi sgt, %mul3A_2, %sign3A : i32
    %sign3A_4 = arith.extui %sign3A_3 : i1 to i32
    %sign3A_5 = arith.constant 0 : i32
    %sign3A_6 = arith.cmpi slt, %mul3A_2, %sign3A_5 : i32
    %sign3A_7 = arith.extui %sign3A_6 : i1 to i32
    %sign3A_8 = arith.subi %sign3A_4, %sign3A_7 : i32
    %sign3A_9 = arith.constant 0 : i32
    %sign3A_10 = arith.cmpi sgt, %jit3A, %sign3A_9 : i32
    %sign3A_11 = arith.extui %sign3A_10 : i1 to i32
    %sign3A_12 = arith.constant 0 : i32
    %sign3A_13 = arith.cmpi slt, %jit3A, %sign3A_12 : i32
    %sign3A_14 = arith.extui %sign3A_13 : i1 to i32
    %sign3A_15 = arith.subi %sign3A_11, %sign3A_14 : i32
    %ne3A = arith.cmpi ne, %sign3A_8, %sign3A_15 : i32
    %rem3A = arith.remsi %mul3A_2, %jit3A : i32
    %ne3A_16 = arith.constant 0 : i32
    %ne3A_17 = arith.cmpi ne, %rem3A, %ne3A_16 : i32
    %and3A = arith.andi %ne3A, %ne3A_17 : i1
    %sub3A = arith.constant 1 : i32
    %sub3A_18 = arith.subi %div3A, %sub3A : i32
    %select_n3A = arith.select %and3A, %sub3A_18, %div3A : i32
    %mul3A_19 = arith.constant 2048 : i32
    %mul3A_20 = arith.muli %select_n3A, %mul3A_19 : i32
    "tpu.region"() ({
      %run_scoped3A = tpu.sem_alloc : memref<!tpu.dma_semaphore, #tpu.memory_space<semaphore_mem>>
      %dma_start3A_80 = tpu.memref_slice %arg4[%mul3A_2] : memref<262144xi32, #tpu.memory_space<hbm>> -> memref<8192xi32, #tpu.memory_space<hbm>>
      %dma_start3A_81 = tpu.memref_slice %arg4[%mul3A_2] : memref<262144xi32, #tpu.memory_space<hbm>> -> memref<8192xi32, #tpu.memory_space<hbm>>
      tpu.enqueue_dma source(%dma_start3A_81 : memref<8192xi32, #tpu.memory_space<hbm>>) target(%arg8 : memref<8192xi32, #tpu.memory_space<vmem>>) target_semaphore(%run_scoped3A : memref<!tpu.dma_semaphore, #tpu.memory_space<semaphore_mem>>)
      %dma_wait3A_82 = tpu.memref_slice %arg4[%mul3A_2] : memref<262144xi32, #tpu.memory_space<hbm>> -> memref<8192xi32, #tpu.memory_space<hbm>>
      %dma_wait3A_83 = tpu.memref_slice %arg4[%mul3A_2] : memref<262144xi32, #tpu.memory_space<hbm>> -> memref<8192xi32, #tpu.memory_space<hbm>>
      tpu.wait_dma2 semaphore(%run_scoped3A : memref<!tpu.dma_semaphore, #tpu.memory_space<semaphore_mem>>) src(%dma_wait3A_83 : memref<8192xi32, #tpu.memory_space<hbm>>) dst(%arg8 : memref<8192xi32, #tpu.memory_space<vmem>>)
      tpu.yield
    }) : () -> ()
    "tpu.region"() ({
      %run_scoped3A = tpu.sem_alloc : memref<!tpu.dma_semaphore, #tpu.memory_space<semaphore_mem>>
      %dma_start3A_80 = tpu.memref_slice %arg5[%mul3A_2] : memref<262144xf32, #tpu.memory_space<hbm>> -> memref<8192xf32, #tpu.memory_space<hbm>>
      %dma_start3A_81 = tpu.memref_slice %arg5[%mul3A_2] : memref<262144xf32, #tpu.memory_space<hbm>> -> memref<8192xf32, #tpu.memory_space<hbm>>
      tpu.enqueue_dma source(%dma_start3A_81 : memref<8192xf32, #tpu.memory_space<hbm>>) target(%arg9 : memref<8192xf32, #tpu.memory_space<vmem>>) target_semaphore(%run_scoped3A : memref<!tpu.dma_semaphore, #tpu.memory_space<semaphore_mem>>)
      %dma_wait3A_82 = tpu.memref_slice %arg5[%mul3A_2] : memref<262144xf32, #tpu.memory_space<hbm>> -> memref<8192xf32, #tpu.memory_space<hbm>>
      %dma_wait3A_83 = tpu.memref_slice %arg5[%mul3A_2] : memref<262144xf32, #tpu.memory_space<hbm>> -> memref<8192xf32, #tpu.memory_space<hbm>>
      tpu.wait_dma2 semaphore(%run_scoped3A : memref<!tpu.dma_semaphore, #tpu.memory_space<semaphore_mem>>) src(%dma_wait3A_83 : memref<8192xf32, #tpu.memory_space<hbm>>) dst(%arg9 : memref<8192xf32, #tpu.memory_space<vmem>>)
      tpu.yield
    }) : () -> ()
    %mul3A_21 = arith.constant 4 : i32
    %mul3A_22 = arith.muli %mul3A_20, %mul3A_21 : i32
    "tpu.region"() ({
      %run_scoped3A = tpu.sem_alloc : memref<!tpu.dma_semaphore, #tpu.memory_space<semaphore_mem>>
      %dma_start3A_80 = tpu.memref_slice %arg3[%mul3A_22] : memref<32768xf32, #tpu.memory_space<hbm>> -> memref<8192xf32, #tpu.memory_space<hbm>>
      %dma_start3A_81 = tpu.memref_slice %arg3[%mul3A_22] : memref<32768xf32, #tpu.memory_space<hbm>> -> memref<8192xf32, #tpu.memory_space<hbm>>
      tpu.enqueue_dma source(%dma_start3A_81 : memref<8192xf32, #tpu.memory_space<hbm>>) target(%arg11 : memref<8192xf32, #tpu.memory_space<vmem>>) target_semaphore(%run_scoped3A : memref<!tpu.dma_semaphore, #tpu.memory_space<semaphore_mem>>)
      %dma_wait3A_82 = tpu.memref_slice %arg3[%mul3A_22] : memref<32768xf32, #tpu.memory_space<hbm>> -> memref<8192xf32, #tpu.memory_space<hbm>>
      %dma_wait3A_83 = tpu.memref_slice %arg3[%mul3A_22] : memref<32768xf32, #tpu.memory_space<hbm>> -> memref<8192xf32, #tpu.memory_space<hbm>>
      tpu.wait_dma2 semaphore(%run_scoped3A : memref<!tpu.dma_semaphore, #tpu.memory_space<semaphore_mem>>) src(%dma_wait3A_83 : memref<8192xf32, #tpu.memory_space<hbm>>) dst(%arg11 : memref<8192xf32, #tpu.memory_space<vmem>>)
      tpu.yield
    }) : () -> ()
    %iota3A = tpu.iota {dimensions = array<i32: 0>} : vector<16xi32>
    %scan3A = arith.constant 0 : i32
    %scan3A_23 = arith.constant 0 : i32
    %scan3A_24 = arith.constant 512 : i32
    %scan3A_25 = arith.addi %scan3A_23, %scan3A_24 : i32
    %scan3A_26 = arith.constant 1 : i32
    %scan3A_27 = scf.for %scan3A_80 = %scan3A_23 to %scan3A_25 step %scan3A_26 iter_args(%scan3A_81 = %scan3A) -> (i32)  : i32 {
      %mul3A_82 = arith.constant 16 : i32
      %mul3A_83 = arith.muli %scan3A_80, %mul3A_82 : i32
      %get3A = arith.index_cast %mul3A_83 : i32 to index
      %get3A_84 = tpu.vector_load %arg8[%get3A] {strides = array<i32>} : memref<8192xi32, #tpu.memory_space<vmem>>, vector<16xi32>,
      %get3A_85 = arith.index_cast %mul3A_83 : i32 to index
      %get3A_86 = tpu.vector_load %arg9[%get3A_85] {strides = array<i32>} : memref<8192xf32, #tpu.memory_space<vmem>>, vector<16xf32>,
      %gt3A = arith.constant 5.000000e-01 : f32
      %gt3A_87 = vector.broadcast %gt3A : f32 to vector<16xf32>
      %gt3A_88 = arith.cmpf ogt, %get3A_86, %gt3A_87 : vector<16xf32>
      %add3A_89 = vector.broadcast %mul3A_20 : i32 to vector<16xi32>
      %add3A_90 = arith.addi %get3A_84, %add3A_89 : vector<16xi32>
      %jit3A_91 = arith.constant 8192 : i32
      %broadcast_in_dim3A = vector.broadcast %jit3A_91 : i32 to vector<16xi32>
      %select_n3A_92 = arith.select %gt3A_88, %add3A_90, %broadcast_in_dim3A : vector<16xi1>, vector<16xi32>
      %swap3A = arith.index_cast %mul3A_83 : i32 to index
      %swap3A_93 = tpu.vector_load %arg10[%swap3A] {strides = array<i32>} : memref<8192xi32, #tpu.memory_space<vmem>>, vector<16xi32>,
      tpu.vector_store %arg10[%swap3A], %select_n3A_92 {strides = array<i32>} : memref<8192xi32, #tpu.memory_space<vmem>>, vector<16xi32>,
      %mul3A_94 = arith.constant 4 : i32
      %mul3A_95 = vector.broadcast %mul3A_94 : i32 to vector<16xi32>
      %mul3A_96 = arith.muli %get3A_84, %mul3A_95 : vector<16xi32>
      %mul3A_97 = arith.constant 16 : i32
      %mul3A_98 = arith.muli %scan3A_80, %mul3A_97 : i32
      %add3A_99 = arith.addi %mul3A_2, %mul3A_98 : i32
      %add3A_100 = vector.broadcast %add3A_99 : i32 to vector<16xi32>
      %add3A_101 = arith.addi %add3A_100, %iota3A : vector<16xi32>
      %jit3A_102 = arith.constant 32 : i32
      %div3A_103 = vector.broadcast %jit3A_102 : i32 to vector<16xi32>
      %div3A_104 = arith.divsi %add3A_101, %div3A_103 : vector<16xi32>
      %sign3A_105 = arith.constant 0 : i32
      %sign3A_106 = vector.broadcast %sign3A_105 : i32 to vector<16xi32>
      %sign3A_107 = arith.cmpi sgt, %add3A_101, %sign3A_106 : vector<16xi32>
      %sign3A_108 = arith.extui %sign3A_107 : vector<16xi1> to vector<16xi32>
      %sign3A_109 = arith.constant 0 : i32
      %sign3A_110 = vector.broadcast %sign3A_109 : i32 to vector<16xi32>
      %sign3A_111 = arith.cmpi slt, %add3A_101, %sign3A_110 : vector<16xi32>
      %sign3A_112 = arith.extui %sign3A_111 : vector<16xi1> to vector<16xi32>
      %sign3A_113 = arith.subi %sign3A_108, %sign3A_112 : vector<16xi32>
      %sign3A_114 = arith.constant 0 : i32
      %sign3A_115 = arith.cmpi sgt, %jit3A_102, %sign3A_114 : i32
      %sign3A_116 = arith.extui %sign3A_115 : i1 to i32
      %sign3A_117 = arith.constant 0 : i32
      %sign3A_118 = arith.cmpi slt, %jit3A_102, %sign3A_117 : i32
      %sign3A_119 = arith.extui %sign3A_118 : i1 to i32
      %sign3A_120 = arith.subi %sign3A_116, %sign3A_119 : i32
      %ne3A_121 = vector.broadcast %sign3A_120 : i32 to vector<16xi32>
      %ne3A_122 = arith.cmpi ne, %sign3A_113, %ne3A_121 : vector<16xi32>
      %rem3A_123 = vector.broadcast %jit3A_102 : i32 to vector<16xi32>
      %rem3A_124 = arith.remsi %add3A_101, %rem3A_123 : vector<16xi32>
      %ne3A_125 = arith.constant 0 : i32
      %ne3A_126 = vector.broadcast %ne3A_125 : i32 to vector<16xi32>
      %ne3A_127 = arith.cmpi ne, %rem3A_124, %ne3A_126 : vector<16xi32>
      %and3A_128 = arith.andi %ne3A_122, %ne3A_127 : vector<16xi1>
      %sub3A_129 = arith.constant 1 : i32
      %sub3A_130 = vector.broadcast %sub3A_129 : i32 to vector<16xi32>
      %sub3A_131 = arith.subi %div3A_104, %sub3A_130 : vector<16xi32>
      %select_n3A_132 = arith.select %and3A_128, %sub3A_131, %div3A_104 : vector<16xi1>, vector<16xi32>
      %sub3A_133 = vector.broadcast %mul3A_20 : i32 to vector<16xi32>
      %sub3A_134 = arith.subi %select_n3A_132, %sub3A_133 : vector<16xi32>
      %mul3A_135 = arith.constant 4 : i32
      %mul3A_136 = vector.broadcast %mul3A_135 : i32 to vector<16xi32>
      %mul3A_137 = arith.muli %sub3A_134, %mul3A_136 : vector<16xi32>
      %mul3A_138 = arith.constant 16 : i32
      %mul3A_139 = arith.muli %scan3A_80, %mul3A_138 : i32
      %add3A_140 = vector.broadcast %mul3A_139 : i32 to vector<16xi32>
      %add3A_141 = arith.addi %add3A_140, %iota3A : vector<16xi32>
      %mul3A_142 = arith.constant 4 : i32
      %mul3A_143 = vector.broadcast %mul3A_142 : i32 to vector<16xi32>
      %mul3A_144 = arith.muli %add3A_141, %mul3A_143 : vector<16xi32>
      %add3A_145 = arith.constant 0 : i32
      %add3A_146 = vector.broadcast %add3A_145 : i32 to vector<16xi32>
      %add3A_147 = arith.addi %mul3A_96, %add3A_146 : vector<16xi32>
      %gather3A = tpu.vector_load_idx %arg11[%add3A_147] : memref<8192xf32, #tpu.memory_space<vmem>>[vector<16xi32>], vector<16xf32>,
      %add3A_148 = arith.constant 0 : i32
      %add3A_149 = vector.broadcast %add3A_148 : i32 to vector<16xi32>
      %add3A_150 = arith.addi %mul3A_137, %add3A_149 : vector<16xi32>
      %gather3A_151 = tpu.vector_load_idx %arg11[%add3A_150] : memref<8192xf32, #tpu.memory_space<vmem>>[vector<16xi32>], vector<16xf32>,
      %sub3A_152 = arith.subf %gather3A, %gather3A_151 : vector<16xf32>
      %add3A_153 = arith.constant 1 : i32
      %add3A_154 = vector.broadcast %add3A_153 : i32 to vector<16xi32>
      %add3A_155 = arith.addi %mul3A_96, %add3A_154 : vector<16xi32>
      %gather3A_156 = tpu.vector_load_idx %arg11[%add3A_155] : memref<8192xf32, #tpu.memory_space<vmem>>[vector<16xi32>], vector<16xf32>,
      %add3A_157 = arith.constant 1 : i32
      %add3A_158 = vector.broadcast %add3A_157 : i32 to vector<16xi32>
      %add3A_159 = arith.addi %mul3A_137, %add3A_158 : vector<16xi32>
      %gather3A_160 = tpu.vector_load_idx %arg11[%add3A_159] : memref<8192xf32, #tpu.memory_space<vmem>>[vector<16xi32>], vector<16xf32>,
      %sub3A_161 = arith.subf %gather3A_156, %gather3A_160 : vector<16xf32>
      %add3A_162 = arith.constant 2 : i32
      %add3A_163 = vector.broadcast %add3A_162 : i32 to vector<16xi32>
      %add3A_164 = arith.addi %mul3A_96, %add3A_163 : vector<16xi32>
      %gather3A_165 = tpu.vector_load_idx %arg11[%add3A_164] : memref<8192xf32, #tpu.memory_space<vmem>>[vector<16xi32>], vector<16xf32>,
      %add3A_166 = arith.constant 2 : i32
      %add3A_167 = vector.broadcast %add3A_166 : i32 to vector<16xi32>
      %add3A_168 = arith.addi %mul3A_137, %add3A_167 : vector<16xi32>
      %gather3A_169 = tpu.vector_load_idx %arg11[%add3A_168] : memref<8192xf32, #tpu.memory_space<vmem>>[vector<16xi32>], vector<16xf32>,
      %sub3A_170 = arith.subf %gather3A_165, %gather3A_169 : vector<16xf32>
      %add3A_171 = arith.constant 3 : i32
      %add3A_172 = vector.broadcast %add3A_171 : i32 to vector<16xi32>
      %add3A_173 = arith.addi %mul3A_96, %add3A_172 : vector<16xi32>
      %gather3A_174 = tpu.vector_load_idx %arg11[%add3A_173] : memref<8192xf32, #tpu.memory_space<vmem>>[vector<16xi32>], vector<16xf32>,
      %add3A_175 = arith.constant 3 : i32
      %add3A_176 = vector.broadcast %add3A_175 : i32 to vector<16xi32>
      %add3A_177 = arith.addi %mul3A_137, %add3A_176 : vector<16xi32>
      %gather3A_178 = tpu.vector_load_idx %arg11[%add3A_177] : memref<8192xf32, #tpu.memory_space<vmem>>[vector<16xi32>], vector<16xf32>,
      %sub3A_179 = arith.subf %gather3A_174, %gather3A_178 : vector<16xf32>
      %mul3A_180 = arith.mulf %sub3A_152, %sub3A_152 : vector<16xf32>
      %mul3A_181 = arith.mulf %sub3A_161, %sub3A_161 : vector<16xf32>
      %add3A_182 = arith.addf %mul3A_180, %mul3A_181 : vector<16xf32>
      %add3A_183 = arith.constant 9.99999996E-13 : f32
      %add3A_184 = vector.broadcast %add3A_183 : f32 to vector<16xf32>
      %add3A_185 = arith.addf %add3A_182, %add3A_184 : vector<16xf32>
      %bitcast3A = vector.bitcast %add3A_185 : vector<16xf32> to vector<16xi32>
      %shift_right_logical3A = arith.constant 1 : i32
      %shift_right_logical3A_186 = vector.broadcast %shift_right_logical3A : i32 to vector<16xi32>
      %shift_right_logical3A_187 = arith.shrui %bitcast3A, %shift_right_logical3A_186 : vector<16xi32>
      %sub3A_188 = arith.constant 1597463007 : i32
      %sub3A_189 = vector.broadcast %sub3A_188 : i32 to vector<16xi32>
      %sub3A_190 = arith.subi %sub3A_189, %shift_right_logical3A_187 : vector<16xi32>
      %bitcast3A_191 = vector.bitcast %sub3A_190 : vector<16xi32> to vector<16xf32>
      %mul3A_192 = arith.constant 5.000000e-01 : f32
      %mul3A_193 = vector.broadcast %mul3A_192 : f32 to vector<16xf32>
      %mul3A_194 = arith.mulf %mul3A_193, %add3A_185 : vector<16xf32>
      %mul3A_195 = arith.mulf %mul3A_194, %bitcast3A_191 : vector<16xf32>
      %mul3A_196 = arith.mulf %mul3A_195, %bitcast3A_191 : vector<16xf32>
      %sub3A_197 = arith.constant 1.500000e+00 : f32
      %sub3A_198 = vector.broadcast %sub3A_197 : f32 to vector<16xf32>
      %sub3A_199 = arith.subf %sub3A_198, %mul3A_196 : vector<16xf32>
      %mul3A_200 = arith.mulf %bitcast3A_191, %sub3A_199 : vector<16xf32>
      %mul3A_201 = arith.constant 5.000000e-01 : f32
      %mul3A_202 = vector.broadcast %mul3A_201 : f32 to vector<16xf32>
      %mul3A_203 = arith.mulf %mul3A_202, %add3A_185 : vector<16xf32>
      %mul3A_204 = arith.mulf %mul3A_203, %mul3A_200 : vector<16xf32>
      %mul3A_205 = arith.mulf %mul3A_204, %mul3A_200 : vector<16xf32>
      %sub3A_206 = arith.constant 1.500000e+00 : f32
      %sub3A_207 = vector.broadcast %sub3A_206 : f32 to vector<16xf32>
      %sub3A_208 = arith.subf %sub3A_207, %mul3A_205 : vector<16xf32>
      %mul3A_209 = arith.mulf %mul3A_200, %sub3A_208 : vector<16xf32>
      %mul3A_210 = arith.constant 5.000000e-01 : f32
      %mul3A_211 = vector.broadcast %mul3A_210 : f32 to vector<16xf32>
      %mul3A_212 = arith.mulf %mul3A_211, %add3A_185 : vector<16xf32>
      %mul3A_213 = arith.mulf %mul3A_212, %mul3A_209 : vector<16xf32>
      %mul3A_214 = arith.mulf %mul3A_213, %mul3A_209 : vector<16xf32>
      %sub3A_215 = arith.constant 1.500000e+00 : f32
      %sub3A_216 = vector.broadcast %sub3A_215 : f32 to vector<16xf32>
      %sub3A_217 = arith.subf %sub3A_216, %mul3A_214 : vector<16xf32>
      %mul3A_218 = arith.mulf %mul3A_209, %sub3A_217 : vector<16xf32>
      %mul3A_219 = arith.mulf %add3A_185, %mul3A_218 : vector<16xf32>
      %add3A_220 = arith.constant 9.99999997E-7 : f32
      %add3A_221 = vector.broadcast %add3A_220 : f32 to vector<16xf32>
      %add3A_222 = arith.addf %mul3A_219, %add3A_221 : vector<16xf32>
      %mul3A_223 = arith.mulf %sub3A_170, %sub3A_170 : vector<16xf32>
      %mul3A_224 = arith.mulf %sub3A_179, %sub3A_179 : vector<16xf32>
      %add3A_225 = arith.addf %mul3A_223, %mul3A_224 : vector<16xf32>
      %add3A_226 = arith.constant 9.99999996E-13 : f32
      %add3A_227 = vector.broadcast %add3A_226 : f32 to vector<16xf32>
      %add3A_228 = arith.addf %add3A_225, %add3A_227 : vector<16xf32>
      %bitcast3A_229 = vector.bitcast %add3A_228 : vector<16xf32> to vector<16xi32>
      %shift_right_logical3A_230 = arith.constant 1 : i32
      %shift_right_logical3A_231 = vector.broadcast %shift_right_logical3A_230 : i32 to vector<16xi32>
      %shift_right_logical3A_232 = arith.shrui %bitcast3A_229, %shift_right_logical3A_231 : vector<16xi32>
      %sub3A_233 = arith.constant 1597463007 : i32
      %sub3A_234 = vector.broadcast %sub3A_233 : i32 to vector<16xi32>
      %sub3A_235 = arith.subi %sub3A_234, %shift_right_logical3A_232 : vector<16xi32>
      %bitcast3A_236 = vector.bitcast %sub3A_235 : vector<16xi32> to vector<16xf32>
      %mul3A_237 = arith.constant 5.000000e-01 : f32
      %mul3A_238 = vector.broadcast %mul3A_237 : f32 to vector<16xf32>
      %mul3A_239 = arith.mulf %mul3A_238, %add3A_228 : vector<16xf32>
      %mul3A_240 = arith.mulf %mul3A_239, %bitcast3A_236 : vector<16xf32>
      %mul3A_241 = arith.mulf %mul3A_240, %bitcast3A_236 : vector<16xf32>
      %sub3A_242 = arith.constant 1.500000e+00 : f32
      %sub3A_243 = vector.broadcast %sub3A_242 : f32 to vector<16xf32>
      %sub3A_244 = arith.subf %sub3A_243, %mul3A_241 : vector<16xf32>
      %mul3A_245 = arith.mulf %bitcast3A_236, %sub3A_244 : vector<16xf32>
      %mul3A_246 = arith.constant 5.000000e-01 : f32
      %mul3A_247 = vector.broadcast %mul3A_246 : f32 to vector<16xf32>
      %mul3A_248 = arith.mulf %mul3A_247, %add3A_228 : vector<16xf32>
      %mul3A_249 = arith.mulf %mul3A_248, %mul3A_245 : vector<16xf32>
      %mul3A_250 = arith.mulf %mul3A_249, %mul3A_245 : vector<16xf32>
      %sub3A_251 = arith.constant 1.500000e+00 : f32
      %sub3A_252 = vector.broadcast %sub3A_251 : f32 to vector<16xf32>
      %sub3A_253 = arith.subf %sub3A_252, %mul3A_250 : vector<16xf32>
      %mul3A_254 = arith.mulf %mul3A_245, %sub3A_253 : vector<16xf32>
      %mul3A_255 = arith.constant 5.000000e-01 : f32
      %mul3A_256 = vector.broadcast %mul3A_255 : f32 to vector<16xf32>
      %mul3A_257 = arith.mulf %mul3A_256, %add3A_228 : vector<16xf32>
      %mul3A_258 = arith.mulf %mul3A_257, %mul3A_254 : vector<16xf32>
      %mul3A_259 = arith.mulf %mul3A_258, %mul3A_254 : vector<16xf32>
      %sub3A_260 = arith.constant 1.500000e+00 : f32
      %sub3A_261 = vector.broadcast %sub3A_260 : f32 to vector<16xf32>
      %sub3A_262 = arith.subf %sub3A_261, %mul3A_259 : vector<16xf32>
      %mul3A_263 = arith.mulf %mul3A_254, %sub3A_262 : vector<16xf32>
      %mul3A_264 = arith.mulf %add3A_228, %mul3A_263 : vector<16xf32>
      %add3A_265 = arith.constant 0 : i32
      %add3A_266 = vector.broadcast %add3A_265 : i32 to vector<16xi32>
      %add3A_267 = arith.addi %mul3A_144, %add3A_266 : vector<16xi32>
      %mul3A_268 = arith.mulf %sub3A_152, %get3A_86 : vector<16xf32>
      tpu.vector_store_idx %arg12[%add3A_267], %mul3A_268 : memref<32768xf32, #tpu.memory_space<vmem>>[vector<16xi32>], vector<16xf32>,
      %add3A_269 = arith.constant 1 : i32
      %add3A_270 = vector.broadcast %add3A_269 : i32 to vector<16xi32>
      %add3A_271 = arith.addi %mul3A_144, %add3A_270 : vector<16xi32>
      %mul3A_272 = arith.mulf %sub3A_161, %get3A_86 : vector<16xf32>
      tpu.vector_store_idx %arg12[%add3A_271], %mul3A_272 : memref<32768xf32, #tpu.memory_space<vmem>>[vector<16xi32>], vector<16xf32>,
      %add3A_273 = arith.constant 2 : i32
      %add3A_274 = vector.broadcast %add3A_273 : i32 to vector<16xi32>
      %add3A_275 = arith.addi %mul3A_144, %add3A_274 : vector<16xi32>
      %mul3A_276 = arith.mulf %add3A_222, %get3A_86 : vector<16xf32>
      tpu.vector_store_idx %arg12[%add3A_275], %mul3A_276 : memref<32768xf32, #tpu.memory_space<vmem>>[vector<16xi32>], vector<16xf32>,
      %add3A_277 = arith.constant 3 : i32
      %add3A_278 = vector.broadcast %add3A_277 : i32 to vector<16xi32>
      %add3A_279 = arith.addi %mul3A_144, %add3A_278 : vector<16xi32>
      %mul3A_280 = arith.mulf %mul3A_264, %get3A_86 : vector<16xf32>
      tpu.vector_store_idx %arg12[%add3A_279], %mul3A_280 : memref<32768xf32, #tpu.memory_space<vmem>>[vector<16xi32>], vector<16xf32>,
      %scan3A_281 = arith.constant 0 : i32
      scf.yield %scan3A_281 : i32
    }
    %scan3A_28 = arith.constant 512 : i32
    %dma_start3A = arith.constant 0 : i32
    %dma_start3A_29 = tpu.memref_slice %arg10[%dma_start3A] : memref<8192xi32, #tpu.memory_space<vmem>> -> memref<128xi32, #tpu.memory_space<vmem>>
    %dma_start3A_30 = arith.constant 0 : i32
    %dma_start3A_31 = arith.constant 0 : i32
    %dma_start3A_32 = tpu.memref_slice %arg2[%dma_start3A_30, %dma_start3A_31] : memref<8200x128xf32, #tpu.memory_space<hbm>> -> memref<8200x128xf32, #tpu.memory_space<hbm>>
    tpu.enqueue_indirect_dma source(%dma_start3A_32 : memref<8200x128xf32, #tpu.memory_space<hbm>>) target(%arg13 : memref<128x128xf32, #tpu.memory_space<vmem>>) offsets(%dma_start3A_29 : memref<128xi32, #tpu.memory_space<vmem>>) semaphore(%arg15 : memref<!tpu.dma_semaphore, #tpu.memory_space<semaphore_mem>>)
    %dma_start3A_33 = arith.constant 128 : i32
    %dma_start3A_34 = tpu.memref_slice %arg10[%dma_start3A_33] : memref<8192xi32, #tpu.memory_space<vmem>> -> memref<128xi32, #tpu.memory_space<vmem>>
    %dma_start3A_35 = arith.constant 0 : i32
    %dma_start3A_36 = arith.constant 0 : i32
    %dma_start3A_37 = tpu.memref_slice %arg2[%dma_start3A_35, %dma_start3A_36] : memref<8200x128xf32, #tpu.memory_space<hbm>> -> memref<8200x128xf32, #tpu.memory_space<hbm>>
    tpu.enqueue_indirect_dma source(%dma_start3A_37 : memref<8200x128xf32, #tpu.memory_space<hbm>>) target(%arg14 : memref<128x128xf32, #tpu.memory_space<vmem>>) offsets(%dma_start3A_34 : memref<128xi32, #tpu.memory_space<vmem>>) semaphore(%arg16 : memref<!tpu.dma_semaphore, #tpu.memory_space<semaphore_mem>>)
    %dma_wait3A = arith.constant 0 : i32
    %dma_wait3A_38 = tpu.memref_slice %arg10[%dma_wait3A] : memref<8192xi32, #tpu.memory_space<vmem>> -> memref<128xi32, #tpu.memory_space<vmem>>
    %dma_wait3A_39 = arith.constant 0 : i32
    %dma_wait3A_40 = arith.constant 0 : i32
    %dma_wait3A_41 = tpu.memref_slice %arg2[%dma_wait3A_39, %dma_wait3A_40] : memref<8200x128xf32, #tpu.memory_space<hbm>> -> memref<8200x128xf32, #tpu.memory_space<hbm>>
    tpu.wait_indirect_dma semaphore(%arg15 : memref<!tpu.dma_semaphore, #tpu.memory_space<semaphore_mem>>) src(%dma_wait3A_41 : memref<8200x128xf32, #tpu.memory_space<hbm>>) dst(%arg13 : memref<128x128xf32, #tpu.memory_space<vmem>>)
    %add3A_42 = arith.constant 0 : i32
    %add3A_43 = arith.addi %mul3A_2, %add3A_42 : i32
    %dma_start3A_44 = arith.constant 0 : i32
    %dma_start3A_45 = tpu.memref_slice %arg6[%add3A_43, %dma_start3A_44] : memref<262144x128xf32, #tpu.memory_space<hbm>> -> memref<128x128xf32, #tpu.memory_space<hbm>>
    %dma_start3A_46 = arith.constant 0 : i32
    %dma_start3A_47 = tpu.memref_slice %arg6[%add3A_43, %dma_start3A_46] : memref<262144x128xf32, #tpu.memory_space<hbm>> -> memref<128x128xf32, #tpu.memory_space<hbm>>
    tpu.enqueue_dma source(%arg13 : memref<128x128xf32, #tpu.memory_space<vmem>>) target(%dma_start3A_47 : memref<128x128xf32, #tpu.memory_space<hbm>>) target_semaphore(%arg17 : memref<!tpu.dma_semaphore, #tpu.memory_space<semaphore_mem>>)
    %scan3A_48 = arith.constant 0 : i32
    %scan3A_49 = arith.constant 1 : i32
    %scan3A_50 = arith.constant 31 : i32
    %scan3A_51 = arith.addi %scan3A_49, %scan3A_50 : i32
    %scan3A_52 = arith.constant 1 : i32
    %scan3A_53 = scf.for %scan3A_80 = %scan3A_49 to %scan3A_51 step %scan3A_52 iter_args(%scan3A_81 = %scan3A_48) -> (i32)  : i32 {
      %mul3A_82 = arith.constant 2 : i32
      %mul3A_83 = arith.muli %mul3A_82, %scan3A_80 : i32
      %add3A_84 = arith.constant 0 : i32
      %add3A_85 = arith.addi %mul3A_83, %add3A_84 : i32
      %sub3A_86 = arith.constant 2 : i32
      %sub3A_87 = arith.subi %add3A_85, %sub3A_86 : i32
      %mul3A_88 = arith.constant 128 : i32
      %mul3A_89 = arith.muli %sub3A_87, %mul3A_88 : i32
      %add3A_90 = arith.addi %mul3A_2, %mul3A_89 : i32
      %dma_wait3A_91 = arith.constant 0 : i32
      %dma_wait3A_92 = tpu.memref_slice %arg6[%add3A_90, %dma_wait3A_91] : memref<262144x128xf32, #tpu.memory_space<hbm>> -> memref<128x128xf32, #tpu.memory_space<hbm>>
      %dma_wait3A_93 = arith.constant 0 : i32
      %dma_wait3A_94 = tpu.memref_slice %arg6[%add3A_90, %dma_wait3A_93] : memref<262144x128xf32, #tpu.memory_space<hbm>> -> memref<128x128xf32, #tpu.memory_space<hbm>>
      tpu.wait_dma2 semaphore(%arg17 : memref<!tpu.dma_semaphore, #tpu.memory_space<semaphore_mem>>) src(%arg13 : memref<128x128xf32, #tpu.memory_space<vmem>>) dst(%dma_wait3A_94 : memref<128x128xf32, #tpu.memory_space<hbm>>)
      %mul3A_95 = arith.constant 128 : i32
      %mul3A_96 = arith.muli %add3A_85, %mul3A_95 : i32
      %dma_start3A_97 = tpu.memref_slice %arg10[%mul3A_96] : memref<8192xi32, #tpu.memory_space<vmem>> -> memref<128xi32, #tpu.memory_space<vmem>>
      %dma_start3A_98 = arith.constant 0 : i32
      %dma_start3A_99 = arith.constant 0 : i32
      %dma_start3A_100 = tpu.memref_slice %arg2[%dma_start3A_98, %dma_start3A_99] : memref<8200x128xf32, #tpu.memory_space<hbm>> -> memref<8200x128xf32, #tpu.memory_space<hbm>>
      tpu.enqueue_indirect_dma source(%dma_start3A_100 : memref<8200x128xf32, #tpu.memory_space<hbm>>) target(%arg13 : memref<128x128xf32, #tpu.memory_space<vmem>>) offsets(%dma_start3A_97 : memref<128xi32, #tpu.memory_space<vmem>>) semaphore(%arg15 : memref<!tpu.dma_semaphore, #tpu.memory_space<semaphore_mem>>)
      %sub3A_101 = arith.constant 1 : i32
      %sub3A_102 = arith.subi %add3A_85, %sub3A_101 : i32
      %mul3A_103 = arith.constant 128 : i32
      %mul3A_104 = arith.muli %sub3A_102, %mul3A_103 : i32
      %dma_wait3A_105 = tpu.memref_slice %arg10[%mul3A_104] : memref<8192xi32, #tpu.memory_space<vmem>> -> memref<128xi32, #tpu.memory_space<vmem>>
      %dma_wait3A_106 = arith.constant 0 : i32
      %dma_wait3A_107 = arith.constant 0 : i32
      %dma_wait3A_108 = tpu.memref_slice %arg2[%dma_wait3A_106, %dma_wait3A_107] : memref<8200x128xf32, #tpu.memory_space<hbm>> -> memref<8200x128xf32, #tpu.memory_space<hbm>>
      tpu.wait_indirect_dma semaphore(%arg16 : memref<!tpu.dma_semaphore, #tpu.memory_space<semaphore_mem>>) src(%dma_wait3A_108 : memref<8200x128xf32, #tpu.memory_space<hbm>>) dst(%arg14 : memref<128x128xf32, #tpu.memory_space<vmem>>)
      %sub3A_109 = arith.constant 1 : i32
      %sub3A_110 = arith.subi %add3A_85, %sub3A_109 : i32
      %mul3A_111 = arith.constant 128 : i32
      %mul3A_112 = arith.muli %sub3A_110, %mul3A_111 : i32
      %add3A_113 = arith.addi %mul3A_2, %mul3A_112 : i32
      %dma_start3A_114 = arith.constant 0 : i32
      %dma_start3A_115 = tpu.memref_slice %arg6[%add3A_113, %dma_start3A_114] : memref<262144x128xf32, #tpu.memory_space<hbm>> -> memref<128x128xf32, #tpu.memory_space<hbm>>
      %dma_start3A_116 = arith.constant 0 : i32
      %dma_start3A_117 = tpu.memref_slice %arg6[%add3A_113, %dma_start3A_116] : memref<262144x128xf32, #tpu.memory_space<hbm>> -> memref<128x128xf32, #tpu.memory_space<hbm>>
      tpu.enqueue_dma source(%arg14 : memref<128x128xf32, #tpu.memory_space<vmem>>) target(%dma_start3A_117 : memref<128x128xf32, #tpu.memory_space<hbm>>) target_semaphore(%arg18 : memref<!tpu.dma_semaphore, #tpu.memory_space<semaphore_mem>>)
      %mul3A_118 = arith.constant 2 : i32
      %mul3A_119 = arith.muli %mul3A_118, %scan3A_80 : i32
      %add3A_120 = arith.constant 1 : i32
      %add3A_121 = arith.addi %mul3A_119, %add3A_120 : i32
      %sub3A_122 = arith.constant 2 : i32
      %sub3A_123 = arith.subi %add3A_121, %sub3A_122 : i32
      %mul3A_124 = arith.constant 128 : i32
      %mul3A_125 = arith.muli %sub3A_123, %mul3A_124 : i32
      %add3A_126 = arith.addi %mul3A_2, %mul3A_125 : i32
      %dma_wait3A_127 = arith.constant 0 : i32
      %dma_wait3A_128 = tpu.memref_slice %arg6[%add3A_126, %dma_wait3A_127] : memref<262144x128xf32, #tpu.memory_space<hbm>> -> memref<128x128xf32, #tpu.memory_space<hbm>>
      %dma_wait3A_129 = arith.constant 0 : i32
      %dma_wait3A_130 = tpu.memref_slice %arg6[%add3A_126, %dma_wait3A_129] : memref<262144x128xf32, #tpu.memory_space<hbm>> -> memref<128x128xf32, #tpu.memory_space<hbm>>
      tpu.wait_dma2 semaphore(%arg18 : memref<!tpu.dma_semaphore, #tpu.memory_space<semaphore_mem>>) src(%arg14 : memref<128x128xf32, #tpu.memory_space<vmem>>) dst(%dma_wait3A_130 : memref<128x128xf32, #tpu.memory_space<hbm>>)
      %mul3A_131 = arith.constant 128 : i32
      %mul3A_132 = arith.muli %add3A_121, %mul3A_131 : i32
      %dma_start3A_133 = tpu.memref_slice %arg10[%mul3A_132] : memref<8192xi32, #tpu.memory_space<vmem>> -> memref<128xi32, #tpu.memory_space<vmem>>
      %dma_start3A_134 = arith.constant 0 : i32
      %dma_start3A_135 = arith.constant 0 : i32
      %dma_start3A_136 = tpu.memref_slice %arg2[%dma_start3A_134, %dma_start3A_135] : memref<8200x128xf32, #tpu.memory_space<hbm>> -> memref<8200x128xf32, #tpu.memory_space<hbm>>
      tpu.enqueue_indirect_dma source(%dma_start3A_136 : memref<8200x128xf32, #tpu.memory_space<hbm>>) target(%arg14 : memref<128x128xf32, #tpu.memory_space<vmem>>) offsets(%dma_start3A_133 : memref<128xi32, #tpu.memory_space<vmem>>) semaphore(%arg16 : memref<!tpu.dma_semaphore, #tpu.memory_space<semaphore_mem>>)
      %sub3A_137 = arith.constant 1 : i32
      %sub3A_138 = arith.subi %add3A_121, %sub3A_137 : i32
      %mul3A_139 = arith.constant 128 : i32
      %mul3A_140 = arith.muli %sub3A_138, %mul3A_139 : i32
      %dma_wait3A_141 = tpu.memref_slice %arg10[%mul3A_140] : memref<8192xi32, #tpu.memory_space<vmem>> -> memref<128xi32, #tpu.memory_space<vmem>>
      %dma_wait3A_142 = arith.constant 0 : i32
      %dma_wait3A_143 = arith.constant 0 : i32
      %dma_wait3A_144 = tpu.memref_slice %arg2[%dma_wait3A_142, %dma_wait3A_143] : memref<8200x128xf32, #tpu.memory_space<hbm>> -> memref<8200x128xf32, #tpu.memory_space<hbm>>
      tpu.wait_indirect_dma semaphore(%arg15 : memref<!tpu.dma_semaphore, #tpu.memory_space<semaphore_mem>>) src(%dma_wait3A_144 : memref<8200x128xf32, #tpu.memory_space<hbm>>) dst(%arg13 : memref<128x128xf32, #tpu.memory_space<vmem>>)
      %sub3A_145 = arith.constant 1 : i32
      %sub3A_146 = arith.subi %add3A_121, %sub3A_145 : i32
      %mul3A_147 = arith.constant 128 : i32
      %mul3A_148 = arith.muli %sub3A_146, %mul3A_147 : i32
      %add3A_149 = arith.addi %mul3A_2, %mul3A_148 : i32
      %dma_start3A_150 = arith.constant 0 : i32
      %dma_start3A_151 = tpu.memref_slice %arg6[%add3A_149, %dma_start3A_150] : memref<262144x128xf32, #tpu.memory_space<hbm>> -> memref<128x128xf32, #tpu.memory_space<hbm>>
      %dma_start3A_152 = arith.constant 0 : i32
      %dma_start3A_153 = tpu.memref_slice %arg6[%add3A_149, %dma_start3A_152] : memref<262144x128xf32, #tpu.memory_space<hbm>> -> memref<128x128xf32, #tpu.memory_space<hbm>>
      tpu.enqueue_dma source(%arg13 : memref<128x128xf32, #tpu.memory_space<vmem>>) target(%dma_start3A_153 : memref<128x128xf32, #tpu.memory_space<hbm>>) target_semaphore(%arg17 : memref<!tpu.dma_semaphore, #tpu.memory_space<semaphore_mem>>)
      %scan3A_154 = arith.constant 0 : i32
      scf.yield %scan3A_154 : i32
    }
    %scan3A_54 = arith.constant 31 : i32
    %dma_wait3A_55 = arith.constant 8064 : i32
    %dma_wait3A_56 = tpu.memref_slice %arg10[%dma_wait3A_55] : memref<8192xi32, #tpu.memory_space<vmem>> -> memref<128xi32, #tpu.memory_space<vmem>>
    %dma_wait3A_57 = arith.constant 0 : i32
    %dma_wait3A_58 = arith.constant 0 : i32
    %dma_wait3A_59 = tpu.memref_slice %arg2[%dma_wait3A_57, %dma_wait3A_58] : memref<8200x128xf32, #tpu.memory_space<hbm>> -> memref<8200x128xf32, #tpu.memory_space<hbm>>
    tpu.wait_indirect_dma semaphore(%arg16 : memref<!tpu.dma_semaphore, #tpu.memory_space<semaphore_mem>>) src(%dma_wait3A_59 : memref<8200x128xf32, #tpu.memory_space<hbm>>) dst(%arg14 : memref<128x128xf32, #tpu.memory_space<vmem>>)
    %add3A_60 = arith.constant 8064 : i32
    %add3A_61 = arith.addi %mul3A_2, %add3A_60 : i32
    %dma_start3A_62 = arith.constant 0 : i32
    %dma_start3A_63 = tpu.memref_slice %arg6[%add3A_61, %dma_start3A_62] : memref<262144x128xf32, #tpu.memory_space<hbm>> -> memref<128x128xf32, #tpu.memory_space<hbm>>
    %dma_start3A_64 = arith.constant 0 : i32
    %dma_start3A_65 = tpu.memref_slice %arg6[%add3A_61, %dma_start3A_64] : memref<262144x128xf32, #tpu.memory_space<hbm>> -> memref<128x128xf32, #tpu.memory_space<hbm>>
    tpu.enqueue_dma source(%arg14 : memref<128x128xf32, #tpu.memory_space<vmem>>) target(%dma_start3A_65 : memref<128x128xf32, #tpu.memory_space<hbm>>) target_semaphore(%arg18 : memref<!tpu.dma_semaphore, #tpu.memory_space<semaphore_mem>>)
    %add3A_66 = arith.constant 7936 : i32
    %add3A_67 = arith.addi %mul3A_2, %add3A_66 : i32
    %dma_wait3A_68 = arith.constant 0 : i32
    %dma_wait3A_69 = tpu.memref_slice %arg6[%add3A_67, %dma_wait3A_68] : memref<262144x128xf32, #tpu.memory_space<hbm>> -> memref<128x128xf32, #tpu.memory_space<hbm>>
    %dma_wait3A_70 = arith.constant 0 : i32
    %dma_wait3A_71 = tpu.memref_slice %arg6[%add3A_67, %dma_wait3A_70] : memref<262144x128xf32, #tpu.memory_space<hbm>> -> memref<128x128xf32, #tpu.memory_space<hbm>>
    tpu.wait_dma2 semaphore(%arg17 : memref<!tpu.dma_semaphore, #tpu.memory_space<semaphore_mem>>) src(%arg13 : memref<128x128xf32, #tpu.memory_space<vmem>>) dst(%dma_wait3A_71 : memref<128x128xf32, #tpu.memory_space<hbm>>)
    %add3A_72 = arith.constant 8064 : i32
    %add3A_73 = arith.addi %mul3A_2, %add3A_72 : i32
    %dma_wait3A_74 = arith.constant 0 : i32
    %dma_wait3A_75 = tpu.memref_slice %arg6[%add3A_73, %dma_wait3A_74] : memref<262144x128xf32, #tpu.memory_space<hbm>> -> memref<128x128xf32, #tpu.memory_space<hbm>>
    %dma_wait3A_76 = arith.constant 0 : i32
    %dma_wait3A_77 = tpu.memref_slice %arg6[%add3A_73, %dma_wait3A_76] : memref<262144x128xf32, #tpu.memory_space<hbm>> -> memref<128x128xf32, #tpu.memory_space<hbm>>
    tpu.wait_dma2 semaphore(%arg18 : memref<!tpu.dma_semaphore, #tpu.memory_space<semaphore_mem>>) src(%arg14 : memref<128x128xf32, #tpu.memory_space<vmem>>) dst(%dma_wait3A_77 : memref<128x128xf32, #tpu.memory_space<hbm>>)
    %mul3A_78 = arith.constant 4 : i32
    %mul3A_79 = arith.muli %mul3A_2, %mul3A_78 : i32
    "tpu.region"() ({
      %run_scoped3A = tpu.sem_alloc : memref<!tpu.dma_semaphore, #tpu.memory_space<semaphore_mem>>
      %dma_start3A_80 = tpu.memref_slice %arg7[%mul3A_79] : memref<1048576xf32, #tpu.memory_space<hbm>> -> memref<32768xf32, #tpu.memory_space<hbm>>
      %dma_start3A_81 = tpu.memref_slice %arg7[%mul3A_79] : memref<1048576xf32, #tpu.memory_space<hbm>> -> memref<32768xf32, #tpu.memory_space<hbm>>
      tpu.enqueue_dma source(%arg12 : memref<32768xf32, #tpu.memory_space<vmem>>) target(%dma_start3A_81 : memref<32768xf32, #tpu.memory_space<hbm>>) target_semaphore(%run_scoped3A : memref<!tpu.dma_semaphore, #tpu.memory_space<semaphore_mem>>)
      %dma_wait3A_82 = tpu.memref_slice %arg7[%mul3A_79] : memref<1048576xf32, #tpu.memory_space<hbm>> -> memref<32768xf32, #tpu.memory_space<hbm>>
      %dma_wait3A_83 = tpu.memref_slice %arg7[%mul3A_79] : memref<1048576xf32, #tpu.memory_space<hbm>> -> memref<32768xf32, #tpu.memory_space<hbm>>
      tpu.wait_dma2 semaphore(%run_scoped3A : memref<!tpu.dma_semaphore, #tpu.memory_space<semaphore_mem>>) src(%arg12 : memref<32768xf32, #tpu.memory_space<vmem>>) dst(%dma_wait3A_83 : memref<32768xf32, #tpu.memory_space<hbm>>)
      tpu.yield
    }) : () -> ()
    return
  }
}

module attributes {stable_mosaic.version = 14 : i64} {
  func.func @_pre_body(%arg0: i32, %arg1: memref<1024x128xf32, #tpu.memory_space<vmem>>, %arg2: memref<128x128xf32, #tpu.memory_space<vmem>>, %arg3: memref<1x128xf32, #tpu.memory_space<vmem>>, %arg4: memref<1024x128xf32, #tpu.memory_space<vmem>>) attributes {dimension_semantics = [#tpu.dimension_semantics<arbitrary>], iteration_bounds = array<i64: 8>, scalar_prefetch = 0 : i64, scratch_operands = 0 : i64, tpu.core_type = #tpu.core_type<tc>, window_params = [{transform_indices = @transform_0, window_bounds = array<i64: 1024, 128>}, {pipeline_mode = #tpu.pipeline_mode<synchronous>, transform_indices = @transform_1, window_bounds = array<i64: 128, 128>}, {pipeline_mode = #tpu.pipeline_mode<synchronous>, transform_indices = @transform_2, window_bounds = array<i64: 1, 128>}, {transform_indices = @transform_3, window_bounds = array<i64: 1024, 128>}]} {
    %get3A = arith.constant 0 : index
    %get3A_0 = arith.constant 0 : index
    %get3A_1 = vector.load %arg1[%get3A, %get3A_0] : memref<1024x128xf32, #tpu.memory_space<vmem>>, vector<1024x128xf32>
    %get3A_2 = arith.constant 0 : index
    %get3A_3 = arith.constant 0 : index
    %get3A_4 = vector.load %arg2[%get3A_2, %get3A_3] : memref<128x128xf32, #tpu.memory_space<vmem>>, vector<128x128xf32>
    %dot_general3A = arith.constant dense<0.000000e+00> : vector<1024x128xf32>
    %dot_general3A_5 = tpu.matmul %get3A_1, %get3A_4, %dot_general3A {dimension_numbers = #tpu.dot_dimension_numbers<[1], [0], [0], [1], [0, 0, 1, 1], [], []>, transpose_lhs_hint = false} : vector<1024x128xf32>, vector<128x128xf32>, vector<1024x128xf32> -> vector<1024x128xf32>
    %get3A_6 = arith.constant 0 : index
    %get3A_7 = arith.constant 0 : index
    %get3A_8 = vector.load %arg3[%get3A_6, %get3A_7] : memref<1x128xf32, #tpu.memory_space<vmem>>, vector<1x128xf32>
    %add3A = vector.broadcast %get3A_8 : vector<1x128xf32> to vector<1024x128xf32>
    %add3A_9 = arith.addf %dot_general3A_5, %add3A : vector<1024x128xf32>
    %swap3A = arith.constant 0 : index
    %swap3A_10 = arith.constant 0 : index
    %swap3A_11 = vector.load %arg4[%swap3A, %swap3A_10] : memref<1024x128xf32, #tpu.memory_space<vmem>>, vector<1024x128xf32>
    tpu.vector_store %arg4[%swap3A, %swap3A_10], %add3A_9 {strides = array<i32>} : memref<1024x128xf32, #tpu.memory_space<vmem>>, vector<1024x128xf32>,
    return
  }
  func.func @transform_0(%arg0: i32) -> (i32, i32) {
    %c0_i32 = arith.constant 0 : i32
    %c0_i32_0 = arith.constant 0 : i32
    return %arg0, %c0_i32 : i32, i32
  }
  func.func @transform_1(%arg0: i32) -> (i32, i32) {
    %c0_i32 = arith.constant 0 : i32
    %c0_i32_0 = arith.constant 0 : i32
    %c0_i32_1 = arith.constant 0 : i32
    return %c0_i32, %c0_i32_0 : i32, i32
  }
  func.func @transform_2(%arg0: i32) -> (i32, i32) {
    %c0_i32 = arith.constant 0 : i32
    %c0_i32_0 = arith.constant 0 : i32
    %c0_i32_1 = arith.constant 0 : i32
    return %c0_i32, %c0_i32_0 : i32, i32
  }
  func.func @transform_3(%arg0: i32) -> (i32, i32) {
    %c0_i32 = arith.constant 0 : i32
    %c0_i32_0 = arith.constant 0 : i32
    return %arg0, %c0_i32 : i32, i32
  }
}

module attributes {stable_mosaic.version = 14 : i64} {
  func.func @_node_body(%arg0: i32, %arg1: memref<128x32x128xf32, #tpu.memory_space<vmem>>, %arg2: memref<4096x4xf32, #tpu.memory_space<vmem>>, %arg3: memref<128x32xf32, #tpu.memory_space<vmem>>, %arg4: memref<128x128xf32, #tpu.memory_space<vmem>>, %arg5: memref<128x5xf32, #tpu.memory_space<vmem>>, %arg6: memref<4x128xf32, #tpu.memory_space<vmem>>, %arg7: memref<128x128xf32, #tpu.memory_space<vmem>>, %arg8: memref<1x128xf32, #tpu.memory_space<vmem>>, %arg9: memref<128x128xf32, #tpu.memory_space<vmem>>, %arg10: memref<128x128xf32, #tpu.memory_space<vmem>>, %arg11: memref<5x128xf32, #tpu.memory_space<vmem>>, %arg12: memref<1x128xf32, #tpu.memory_space<vmem>>, %arg13: memref<1x5xf32, #tpu.memory_space<vmem>>, %arg14: memref<1x5xf32, #tpu.memory_space<vmem>>, %arg15: memref<128x128xf32, #tpu.memory_space<vmem>>) attributes {dimension_semantics = [#tpu.dimension_semantics<arbitrary>], iteration_bounds = array<i64: 64>, scalar_prefetch = 0 : i64, scratch_operands = 0 : i64, tpu.core_type = #tpu.core_type<tc>, window_params = [{transform_indices = @transform_0, window_bounds = array<i64: 128, 32, 128>}, {transform_indices = @transform_1, window_bounds = array<i64: 4096, 4>}, {transform_indices = @transform_2, window_bounds = array<i64: 128, 32>}, {transform_indices = @transform_3, window_bounds = array<i64: 128, 128>}, {transform_indices = @transform_4, window_bounds = array<i64: 128, 5>}, {pipeline_mode = #tpu.pipeline_mode<synchronous>, transform_indices = @transform_5, window_bounds = array<i64: 4, 128>}, {pipeline_mode = #tpu.pipeline_mode<synchronous>, transform_indices = @transform_6, window_bounds = array<i64: 128, 128>}, {pipeline_mode = #tpu.pipeline_mode<synchronous>, transform_indices = @transform_7, window_bounds = array<i64: 1, 128>}, {pipeline_mode = #tpu.pipeline_mode<synchronous>, transform_indices = @transform_8, window_bounds = array<i64: 128, 128>}, {pipeline_mode = #tpu.pipeline_mode<synchronous>, transform_indices = @transform_9, window_bounds = array<i64: 128, 128>}, {pipeline_mode = #tpu.pipeline_mode<synchronous>, transform_indices = @transform_10, window_bounds = array<i64: 5, 128>}, {pipeline_mode = #tpu.pipeline_mode<synchronous>, transform_indices = @transform_11, window_bounds = array<i64: 1, 128>}, {pipeline_mode = #tpu.pipeline_mode<synchronous>, transform_indices = @transform_12, window_bounds = array<i64: 1, 5>}, {pipeline_mode = #tpu.pipeline_mode<synchronous>, transform_indices = @transform_13, window_bounds = array<i64: 1, 5>}, {transform_indices = @transform_14, window_bounds = array<i64: 128, 128>}]} {
    %get3A = arith.constant 0 : index
    %get3A_0 = arith.constant 0 : index
    %get3A_1 = arith.constant 0 : index
    %get3A_2 = vector.load %arg1[%get3A, %get3A_0, %get3A_1] : memref<128x32x128xf32, #tpu.memory_space<vmem>>, vector<128x32x128xf32>
    %get3A_3 = arith.constant 0 : index
    %get3A_4 = arith.constant 0 : index
    %get3A_5 = vector.load %arg2[%get3A_3, %get3A_4] : memref<4096x4xf32, #tpu.memory_space<vmem>>, vector<4096x4xf32>
    %get3A_6 = arith.constant 0 : index
    %get3A_7 = arith.constant 0 : index
    %get3A_8 = vector.load %arg3[%get3A_6, %get3A_7] : memref<128x32xf32, #tpu.memory_space<vmem>>, vector<128x32xf32>
    %get3A_9 = arith.constant 0 : index
    %get3A_10 = arith.constant 0 : index
    %get3A_11 = vector.load %arg6[%get3A_9, %get3A_10] : memref<4x128xf32, #tpu.memory_space<vmem>>, vector<4x128xf32>
    %dot_general3A = arith.constant dense<0.000000e+00> : vector<4096x128xf32>
    %dot_general3A_12 = tpu.matmul %get3A_5, %get3A_11, %dot_general3A {dimension_numbers = #tpu.dot_dimension_numbers<[1], [0], [0], [1], [0, 0, 1, 1], [], []>, transpose_lhs_hint = false} : vector<4096x4xf32>, vector<4x128xf32>, vector<4096x128xf32> -> vector<4096x128xf32>
    %reshape3A = vector.shape_cast %dot_general3A_12 : vector<4096x128xf32> to vector<128x32x128xf32>
    %add3A = arith.addf %get3A_2, %reshape3A : vector<128x32x128xf32>
    %max3A = arith.constant 0.000000e+00 : f32
    %max3A_13 = vector.broadcast %max3A : f32 to vector<128x32x128xf32>
    %max3A_14 = arith.maximumf %add3A, %max3A_13 : vector<128x32x128xf32>
    %reduce_sum3A = arith.constant dense<0.000000e+00> : vector<128x128xf32>
    %reduce_sum3A_15 = vector.multi_reduction <add>, %max3A_14, %reduce_sum3A [1] : vector<128x32x128xf32> to vector<128x128xf32>
    %reduce_sum3A_16 = arith.constant dense<0.000000e+00> : vector<128xf32>
    %reduce_sum3A_17 = vector.multi_reduction <add>, %get3A_8, %reduce_sum3A_16 [1] : vector<128x32xf32> to vector<128xf32>
    %broadcast_in_dim3A = vector.shape_cast %reduce_sum3A_17 : vector<128xf32> to vector<128x1xf32>
    %get3A_18 = arith.constant 0 : index
    %get3A_19 = arith.constant 0 : index
    %get3A_20 = vector.load %arg7[%get3A_18, %get3A_19] : memref<128x128xf32, #tpu.memory_space<vmem>>, vector<128x128xf32>
    %dot_general3A_21 = arith.constant dense<0.000000e+00> : vector<128x128xf32>
    %dot_general3A_22 = tpu.matmul %reduce_sum3A_15, %get3A_20, %dot_general3A_21 {dimension_numbers = #tpu.dot_dimension_numbers<[1], [0], [0], [1], [0, 0, 1, 1], [], []>, transpose_lhs_hint = false} : vector<128x128xf32>, vector<128x128xf32>, vector<128x128xf32> -> vector<128x128xf32>
    %get3A_23 = arith.constant 0 : index
    %get3A_24 = arith.constant 0 : index
    %get3A_25 = vector.load %arg8[%get3A_23, %get3A_24] : memref<1x128xf32, #tpu.memory_space<vmem>>, vector<1x128xf32>
    %mul3A = vector.broadcast %broadcast_in_dim3A : vector<128x1xf32> to vector<128x128xf32>
    %mul3A_26 = vector.broadcast %get3A_25 : vector<1x128xf32> to vector<128x128xf32>
    %mul3A_27 = arith.mulf %mul3A, %mul3A_26 : vector<128x128xf32>
    %add3A_28 = arith.addf %dot_general3A_22, %mul3A_27 : vector<128x128xf32>
    %add3A_29 = arith.constant 9.99999997E-7 : f32
    %add3A_30 = vector.broadcast %add3A_29 : f32 to vector<128x1xf32>
    %add3A_31 = arith.addf %broadcast_in_dim3A, %add3A_30 : vector<128x1xf32>
    %div3A = vector.broadcast %add3A_31 : vector<128x1xf32> to vector<128x128xf32>
    %div3A_32 = arith.divf %add3A_28, %div3A : vector<128x128xf32>
    %get3A_33 = arith.constant 0 : index
    %get3A_34 = arith.constant 0 : index
    %get3A_35 = vector.load %arg5[%get3A_33, %get3A_34] : memref<128x5xf32, #tpu.memory_space<vmem>>, vector<128x5xf32>
    %reduce_sum3A_36 = arith.constant dense<0.000000e+00> : vector<128xf32>
    %reduce_sum3A_37 = vector.multi_reduction <add>, %get3A_35, %reduce_sum3A_36 [1] : vector<128x5xf32> to vector<128xf32>
    %broadcast_in_dim3A_38 = vector.shape_cast %reduce_sum3A_37 : vector<128xf32> to vector<128x1xf32>
    %div3A_39 = arith.constant 5.000000e+00 : f32
    %div3A_40 = vector.broadcast %div3A_39 : f32 to vector<128x1xf32>
    %div3A_41 = arith.divf %broadcast_in_dim3A_38, %div3A_40 : vector<128x1xf32>
    %sub3A = vector.broadcast %div3A_41 : vector<128x1xf32> to vector<128x5xf32>
    %sub3A_42 = arith.subf %get3A_35, %sub3A : vector<128x5xf32>
    %integer_pow3A = arith.mulf %sub3A_42, %sub3A_42 : vector<128x5xf32>
    %reduce_sum3A_43 = arith.constant dense<0.000000e+00> : vector<128xf32>
    %reduce_sum3A_44 = vector.multi_reduction <add>, %integer_pow3A, %reduce_sum3A_43 [1] : vector<128x5xf32> to vector<128xf32>
    %broadcast_in_dim3A_45 = vector.shape_cast %reduce_sum3A_44 : vector<128xf32> to vector<128x1xf32>
    %div3A_46 = arith.constant 5.000000e+00 : f32
    %div3A_47 = vector.broadcast %div3A_46 : f32 to vector<128x1xf32>
    %div3A_48 = arith.divf %broadcast_in_dim3A_45, %div3A_47 : vector<128x1xf32>
    %sub3A_49 = vector.broadcast %div3A_41 : vector<128x1xf32> to vector<128x5xf32>
    %sub3A_50 = arith.subf %get3A_35, %sub3A_49 : vector<128x5xf32>
    %add3A_51 = arith.constant 9.99999974E-6 : f32
    %add3A_52 = vector.broadcast %add3A_51 : f32 to vector<128x1xf32>
    %add3A_53 = arith.addf %div3A_48, %add3A_52 : vector<128x1xf32>
    %sqrt3A = math.sqrt %add3A_53 : vector<128x1xf32>
    %div3A_54 = vector.broadcast %sqrt3A : vector<128x1xf32> to vector<128x5xf32>
    %div3A_55 = arith.divf %sub3A_50, %div3A_54 : vector<128x5xf32>
    %get3A_56 = arith.constant 0 : index
    %get3A_57 = arith.constant 0 : index
    %get3A_58 = vector.load %arg13[%get3A_56, %get3A_57] : memref<1x5xf32, #tpu.memory_space<vmem>>, vector<1x5xf32>
    %mul3A_59 = vector.broadcast %get3A_58 : vector<1x5xf32> to vector<128x5xf32>
    %mul3A_60 = arith.mulf %div3A_55, %mul3A_59 : vector<128x5xf32>
    %get3A_61 = arith.constant 0 : index
    %get3A_62 = arith.constant 0 : index
    %get3A_63 = vector.load %arg14[%get3A_61, %get3A_62] : memref<1x5xf32, #tpu.memory_space<vmem>>, vector<1x5xf32>
    %add3A_64 = vector.broadcast %get3A_63 : vector<1x5xf32> to vector<128x5xf32>
    %add3A_65 = arith.addf %mul3A_60, %add3A_64 : vector<128x5xf32>
    %get3A_66 = arith.constant 0 : index
    %get3A_67 = arith.constant 0 : index
    %get3A_68 = vector.load %arg4[%get3A_66, %get3A_67] : memref<128x128xf32, #tpu.memory_space<vmem>>, vector<128x128xf32>
    %get3A_69 = arith.constant 0 : index
    %get3A_70 = arith.constant 0 : index
    %get3A_71 = vector.load %arg9[%get3A_69, %get3A_70] : memref<128x128xf32, #tpu.memory_space<vmem>>, vector<128x128xf32>
    %dot_general3A_72 = arith.constant dense<0.000000e+00> : vector<128x128xf32>
    %dot_general3A_73 = tpu.matmul %get3A_68, %get3A_71, %dot_general3A_72 {dimension_numbers = #tpu.dot_dimension_numbers<[1], [0], [0], [1], [0, 0, 1, 1], [], []>, transpose_lhs_hint = false} : vector<128x128xf32>, vector<128x128xf32>, vector<128x128xf32> -> vector<128x128xf32>
    %get3A_74 = arith.constant 0 : index
    %get3A_75 = arith.constant 0 : index
    %get3A_76 = vector.load %arg10[%get3A_74, %get3A_75] : memref<128x128xf32, #tpu.memory_space<vmem>>, vector<128x128xf32>
    %dot_general3A_77 = arith.constant dense<0.000000e+00> : vector<128x128xf32>
    %dot_general3A_78 = tpu.matmul %div3A_32, %get3A_76, %dot_general3A_77 {dimension_numbers = #tpu.dot_dimension_numbers<[1], [0], [0], [1], [0, 0, 1, 1], [], []>, transpose_lhs_hint = false} : vector<128x128xf32>, vector<128x128xf32>, vector<128x128xf32> -> vector<128x128xf32>
    %add3A_79 = arith.addf %dot_general3A_73, %dot_general3A_78 : vector<128x128xf32>
    %get3A_80 = arith.constant 0 : index
    %get3A_81 = arith.constant 0 : index
    %get3A_82 = vector.load %arg11[%get3A_80, %get3A_81] : memref<5x128xf32, #tpu.memory_space<vmem>>, vector<5x128xf32>
    %dot_general3A_83 = arith.constant dense<0.000000e+00> : vector<128x128xf32>
    %dot_general3A_84 = tpu.matmul %add3A_65, %get3A_82, %dot_general3A_83 {dimension_numbers = #tpu.dot_dimension_numbers<[1], [0], [0], [1], [0, 0, 1, 1], [], []>, transpose_lhs_hint = false} : vector<128x5xf32>, vector<5x128xf32>, vector<128x128xf32> -> vector<128x128xf32>
    %add3A_85 = arith.addf %add3A_79, %dot_general3A_84 : vector<128x128xf32>
    %get3A_86 = arith.constant 0 : index
    %get3A_87 = arith.constant 0 : index
    %get3A_88 = vector.load %arg12[%get3A_86, %get3A_87] : memref<1x128xf32, #tpu.memory_space<vmem>>, vector<1x128xf32>
    %add3A_89 = vector.broadcast %get3A_88 : vector<1x128xf32> to vector<128x128xf32>
    %add3A_90 = arith.addf %add3A_85, %add3A_89 : vector<128x128xf32>
    %max3A_91 = arith.constant 0.000000e+00 : f32
    %max3A_92 = vector.broadcast %max3A_91 : f32 to vector<128x128xf32>
    %max3A_93 = arith.maximumf %add3A_90, %max3A_92 : vector<128x128xf32>
    %swap3A = arith.constant 0 : index
    %swap3A_94 = arith.constant 0 : index
    %swap3A_95 = vector.load %arg15[%swap3A, %swap3A_94] : memref<128x128xf32, #tpu.memory_space<vmem>>, vector<128x128xf32>
    tpu.vector_store %arg15[%swap3A, %swap3A_94], %max3A_93 {strides = array<i32>} : memref<128x128xf32, #tpu.memory_space<vmem>>, vector<128x128xf32>,
    return
  }
  func.func @transform_0(%arg0: i32) -> (i32, i32, i32) {
    %c0_i32 = arith.constant 0 : i32
    %c0_i32_0 = arith.constant 0 : i32
    %c0_i32_1 = arith.constant 0 : i32
    return %arg0, %c0_i32, %c0_i32_0 : i32, i32, i32
  }
  func.func @transform_1(%arg0: i32) -> (i32, i32) {
    %c0_i32 = arith.constant 0 : i32
    %c0_i32_0 = arith.constant 0 : i32
    return %arg0, %c0_i32 : i32, i32
  }
  func.func @transform_2(%arg0: i32) -> (i32, i32) {
    %c0_i32 = arith.constant 0 : i32
    %c0_i32_0 = arith.constant 0 : i32
    return %arg0, %c0_i32 : i32, i32
  }
  func.func @transform_3(%arg0: i32) -> (i32, i32) {
    %c0_i32 = arith.constant 0 : i32
    %c0_i32_0 = arith.constant 0 : i32
    return %arg0, %c0_i32 : i32, i32
  }
  func.func @transform_4(%arg0: i32) -> (i32, i32) {
    %c0_i32 = arith.constant 0 : i32
    %c0_i32_0 = arith.constant 0 : i32
    return %arg0, %c0_i32 : i32, i32
  }
  func.func @transform_5(%arg0: i32) -> (i32, i32) {
    %c0_i32 = arith.constant 0 : i32
    %c0_i32_0 = arith.constant 0 : i32
    %c0_i32_1 = arith.constant 0 : i32
    return %c0_i32, %c0_i32_0 : i32, i32
  }
  func.func @transform_6(%arg0: i32) -> (i32, i32) {
    %c0_i32 = arith.constant 0 : i32
    %c0_i32_0 = arith.constant 0 : i32
    %c0_i32_1 = arith.constant 0 : i32
    return %c0_i32, %c0_i32_0 : i32, i32
  }
  func.func @transform_7(%arg0: i32) -> (i32, i32) {
    %c0_i32 = arith.constant 0 : i32
    %c0_i32_0 = arith.constant 0 : i32
    %c0_i32_1 = arith.constant 0 : i32
    return %c0_i32, %c0_i32_0 : i32, i32
  }
  func.func @transform_8(%arg0: i32) -> (i32, i32) {
    %c0_i32 = arith.constant 0 : i32
    %c0_i32_0 = arith.constant 0 : i32
    %c0_i32_1 = arith.constant 0 : i32
    return %c0_i32, %c0_i32_0 : i32, i32
  }
  func.func @transform_9(%arg0: i32) -> (i32, i32) {
    %c0_i32 = arith.constant 0 : i32
    %c0_i32_0 = arith.constant 0 : i32
    %c0_i32_1 = arith.constant 0 : i32
    return %c0_i32, %c0_i32_0 : i32, i32
  }
  func.func @transform_10(%arg0: i32) -> (i32, i32) {
    %c0_i32 = arith.constant 0 : i32
    %c0_i32_0 = arith.constant 0 : i32
    %c0_i32_1 = arith.constant 0 : i32
    return %c0_i32, %c0_i32_0 : i32, i32
  }
  func.func @transform_11(%arg0: i32) -> (i32, i32) {
    %c0_i32 = arith.constant 0 : i32
    %c0_i32_0 = arith.constant 0 : i32
    %c0_i32_1 = arith.constant 0 : i32
    return %c0_i32, %c0_i32_0 : i32, i32
  }
  func.func @transform_12(%arg0: i32) -> (i32, i32) {
    %c0_i32 = arith.constant 0 : i32
    %c0_i32_0 = arith.constant 0 : i32
    %c0_i32_1 = arith.constant 0 : i32
    return %c0_i32, %c0_i32_0 : i32, i32
  }
  func.func @transform_13(%arg0: i32) -> (i32, i32) {
    %c0_i32 = arith.constant 0 : i32
    %c0_i32_0 = arith.constant 0 : i32
    %c0_i32_1 = arith.constant 0 : i32
    return %c0_i32, %c0_i32_0 : i32, i32
  }
  func.func @transform_14(%arg0: i32) -> (i32, i32) {
    %c0_i32 = arith.constant 0 : i32
    %c0_i32_0 = arith.constant 0 : i32
    return %arg0, %c0_i32 : i32, i32
  }
}

</mosaic_0001>

<sc_bundles>
// kernel: kernel.5.cloned.1.call-start
scs
__scs_entry_jumppad:
0x0: {  	(pc) =	sbr.rel $0x88, $3  }
0x1: {  	(tag) =	ssettag $0x0;
	lr =	simm.s32 $0x1  }
0x2: {  	[smem:$0x3F93] =	sst lr;
	_ =	strace $0xD0000000  }
0x3: {  	_ = 	snop  }
0x4: {  	_ = 	snop  }
0x5: {  	_ = 	snop  }
0x6: {  	_ = 	snop  }
0x7: {  	_ = 	snop  }
__scs_overlays_trampoline_lowered:
0x8: {  	[smem:$0x3FA2] =	sst s0  }
0x9: {  	[smem:$0x3FA3] =	sst s1  }
0xa: {  	[smem:$0x3FA4] =	sst s2  }
0xb: {  	[smem:$0x3FA5] =	sst s3  }
0xc: {  	[smem:$0x3FA6] =	sst s4  }
0xd: {  	[smem:$0x3FA7] =	sst s5  }
0xe: {  	[smem:$0x3FA8] =	sst s6  }
0xf: {  	[smem:$0x3FA9] =	sst s7  }
0x10: {  	[smem:$0x3FAA] =	sst s8  }
0x11: {  	[smem:$0x3FAB] =	sst s9;
	s0 =	simm.s32 @!p0 $0x0  }
0x12: {  	s1 =	sld [smem:$0x3F91];
	s0 =	simm.s32 @p0 $0x1  }
0x13: {  	[smem:$0x3FAC] =	sst s0;
	s0 =	simm.s32 @!p1 $0x0  }
0x14: {  	s2 =	sld [smem:$0x3F90];
	s0 =	simm.s32 @p1 $0x1  }
0x15: {  	[smem:$0x3FAD] =	sst s0;
	s0 =	simm.s32 @!p2 $0x0  }
0x16: {  	s3 =	sld [smem:$0x3FDB];
	s0 =	simm.s32 @p2 $0x1  }
0x17: {  	s4 =	simm.s32 $0x1BF5;
	[smem:$0x3FAF] =	sst s0  }
0x18: {  	s0 =	sld [smem:$0x3F92];
	_ =	swait.ge [sflag:s4], $0x0  }
0x19: {  	s7 =	sld [smem:$0x3F93]  }
0x1a: {  	s8 =	sadd.s32 $0xFFFFE003, lr  }
0x1b: {  	s9 =	sadd.s32 $0xFFFFFEF7, lr;
	s5 =	simm.s32 $0xFFFFFFFF;
	p2 =	slt.u32 s8, $0xFFFFF086  }
0x1c: {  	p1 =	slt.u32 s9, $0xF7A;
	s5 =	simm.s32 @!p2 $0x0  }
0x1d: {  	s5 =	simm.s32 @p1 $0x1;
	p0 =	seq.s32 s7, s2  }
0x1e: {  	s7 =	smul.u32 @!p0 $0xF7A, s2;
	p2 =	seq.s32 @!p0 s5, $0x0  }
0x1f: {  	s9 =	smul.u32 $0xF7A, s1;
	s8 =	simm.s32 @!p0 $0x1BF5;
	p2 =	por !p2, p0  }
0x20: {  	[sflag:s8] =	ssyncset.s32 @!p0 $0xFFFFF086;
	s6 =	sadd.s32 @!p0 s3, s7;
	s7 =	simm.s32 @!p0 $0x108  }
0x21: {  	s3 =	sadd.s32 s3, s9;
	s6 =	sadd.s32 @!p0 $0x88, s6;
	s7 =	simm.s32 @p2 $0x1082  }
0x22: {  	[simem:s7], [sflag:s8] =	dma.local @!p0 [hbm:s6], $0xF7A  }
0x23: {  	s9 =	sor.u32 $0xD0000000, s2;
	s6 =	simm.s32 $0x108;
	_ =	swait.ge @!p0 [sflag:s8], $0x0  }
0x24: {  	s3 =	sadd.s32 $0x88, s3;
	s6 =	simm.s32 @!p1 $0x1082;
	[sflag:s4] =	ssyncset.s32 $0xFFFFF086  }
0x25: {  	[simem:s6], [sflag:s4] =	dma.local [hbm:s3], $0xF7A  }
0x26: {  	[smem:$0x3F93] =	sst s1;
	(tag) =	ssettag s2;
	_ =	strace s9  }
0x27: {  	s1 =	sld [smem:$0x3FA3]  }
0x28: {  	s2 =	sld [smem:$0x3FA4]  }
0x29: {  	s4 =	sld [smem:$0x3FA6]  }
0x2a: {  	p0 =	seq.s32 s5, $0x0;
	s5 =	sld [smem:$0x3FA7]  }
0x2b: {  	s6 =	sld [smem:$0x3FA8]  }
0x2c: {  	s7 =	sld [smem:$0x3FA9]  }
0x2d: {  	s3 =	simm.s32 $0x108;
	s8 =	sld [smem:$0x3FAA]  }
0x2e: {  	s3 =	simm.s32 @!p0 $0x1082;
	s9 =	sld [smem:$0x3FAB]  }
0x2f: {  	lr =	sadd.s32 s0, s3;
	s0 =	sld [smem:$0x3FA2]  }
0x30: {  	s3 =	sld [smem:$0x3FA5]  }
0x31: {  	[smem:$0x3FAE] =	sst s10  }
0x32: {  	s10 =	sld [smem:$0x3FAC];
	_ =	sdelay $0x3  }
0x33: {  	p0 =	seq.s32 s10, $0x1;
	s10 =	sld [smem:$0x3FAE];
	_ =	sdelay $0x3  }
0x34: {  	[smem:$0x3FAE] =	sst s10  }
0x35: {  	s10 =	sld [smem:$0x3FAD];
	_ =	sdelay $0x3  }
0x36: {  	p1 =	seq.s32 s10, $0x1;
	s10 =	sld [smem:$0x3FAE];
	_ =	sdelay $0x3  }
0x37: {  	[smem:$0x3FAE] =	sst s10  }
0x38: {  	s10 =	sld [smem:$0x3FAF]  }
0x39: {  	_ = 	snop;
	(pc) =	sbr.ind lr, $3  }
0x3a: {  	_ = 	snop  }
0x3b: {  	_ = 	snop  }
0x3c: {  	p2 =	seq.s32 s10, $0x1;
	s10 =	sld [smem:$0x3FAE]  }
0x3d: {  	_ =	shalt  }
0x3e: {  	_ =	shalt  }
0x3f: {  	_ =	shalt  }
0x40: {  	_ =	shalt  }
0x41: {  	_ =	shalt  }
0x42: {  	_ =	shalt  }
0x43: {  	_ =	shalt  }
0x44: {  	_ =	shalt  }
0x45: {  	_ =	shalt  }
0x46: {  	_ =	shalt  }
0x47: {  	_ =	shalt  }
0x48: {  	_ =	shalt  }
0x49: {  	_ =	shalt  }
0x4a: {  	_ =	shalt  }
0x4b: {  	_ =	shalt  }
0x4c: {  	_ =	shalt  }
0x4d: {  	_ =	shalt  }
0x4e: {  	_ =	shalt  }
0x4f: {  	_ =	shalt  }
0x50: {  	_ =	shalt  }
0x51: {  	_ =	shalt  }
0x52: {  	_ =	shalt  }
0x53: {  	_ =	shalt  }
0x54: {  	_ =	shalt  }
0x55: {  	_ =	shalt  }
0x56: {  	_ =	shalt  }
0x57: {  	_ =	shalt  }
0x58: {  	_ =	shalt  }
0x59: {  	_ =	shalt  }
0x5a: {  	_ =	shalt  }
0x5b: {  	_ =	shalt  }
0x5c: {  	_ =	shalt  }
0x5d: {  	_ =	shalt  }
0x5e: {  	_ =	shalt  }
0x5f: {  	_ =	shalt  }
0x60: {  	_ =	shalt  }
0x61: {  	_ =	shalt  }
0x62: {  	_ =	shalt  }
0x63: {  	_ =	shalt  }
0x64: {  	_ =	shalt  }
0x65: {  	_ =	shalt  }
0x66: {  	_ =	shalt  }
0x67: {  	_ =	shalt  }
0x68: {  	_ =	shalt  }
0x69: {  	_ =	shalt  }
0x6a: {  	_ =	shalt  }
0x6b: {  	_ =	shalt  }
0x6c: {  	_ =	shalt  }
0x6d: {  	_ =	shalt  }
0x6e: {  	_ =	shalt  }
0x6f: {  	_ =	shalt  }
0x70: {  	_ =	shalt  }
0x71: {  	_ =	shalt  }
0x72: {  	_ =	shalt  }
0x73: {  	_ =	shalt  }
0x74: {  	_ =	shalt  }
0x75: {  	_ =	shalt  }
0x76: {  	_ =	shalt  }
0x77: {  	_ =	shalt  }
0x78: {  	_ =	shalt  }
0x79: {  	_ =	shalt  }
0x7a: {  	_ =	shalt  }
0x7b: {  	_ =	shalt  }
0x7c: {  	_ =	shalt  }
0x7d: {  	_ =	shalt  }
0x7e: {  	_ =	shalt  }
0x7f: {  	_ =	shalt  }
0x80: {  	_ =	shalt  }
0x81: {  	_ =	shalt  }
0x82: {  	_ =	shalt  }
0x83: {  	_ =	shalt  }
0x84: {  	_ =	shalt  }
0x85: {  	_ =	shalt  }
0x86: {  	_ =	shalt  }
0x87: {  	_ =	shalt  }
.Lfunc_end0:
.L_simem_size_0:
called_computation_lowered:
.L_overlay_start_0:
0x88: {  	s2 =	sld [smem:$0x3FD9]  }
0x89: {  	s3 =	sld [smem:$0x3FFE];
	_ =	sdelay $0x1  }
0x8a: {  	s1 =	srdreg.scid  }
0x8b: {  	s0 =	sand.u32 $0x1, s1  }
0x8c: {  	s17 =	sshll.u32 s0, $0xA;
	s2 =	sadd.s32 s3, s2  }
0x8d: {  	s2 =	sadd.s32 s2, s17  }
0x8e: {  	[smem:$0x3FBA] =	sst s2  }
0x8f: {  	_ = 	snop  }
0x90: {  	s2 =	sld [smem:$0x3FD0];
	(tm) =	ssettm $0x1  }
0x91: {  	s18 =	sld [smem:$0x3FFB];
	_ =	sdelay $0x3  }
0x92: {  	_ =	strace s18  }
0x93: {  	s3 =	sld [smem:$0x3FFC];
	_ =	sdelay $0x3  }
0x94: {  	_ =	strace s3  }
0x95: {  	s3 =	sld [smem:$0x3FFD];
	_ =	sdelay $0x3  }
0x96: {  	_ =	strace s3  }
0x97: {  	_ =	strace $0x8FFFFFFF  }
0x98: {  	s19 =	sld [smem:$0x3FDB];
	_ =	sdelay $0x1  }
0x99: {  	s4 =	simm.s32 $_scs_section_size  }
0x9a: {  	s5 =	simm.s32 $_size__tile_overlayer_lowered;
	s6 =	simm.s32 $_tile_overlayer_lowered  }
0x9b: {  	s22 =	simm.s32 $0x1BFF;
	s21 =	sshll.u32 s6, $0x1;
	s3 =	sadd.s32 s4, s19  }
0x9c: {  	s7 =	simm.s32 $0x0;
	s20 =	sshll.u32 s5, $0x1;
	s5 =	sadd.s32 s21, s3  }
0x9d: {  	[timem:s7], [sflag:s22] =	dma.local [hbm:s5], s20  }
0x9e: {  	_ =	swait.ge [sflag:s22], s20  }
0x9f: {  	s4 =	ssub.s32 $0x0, s20;
	[sflag:s22] =	ssyncset.done $0x0  }
0xa0: {  	[sflag:s22] =	ssyncadd.s32 s4;
	_ =	sdelay $0x1  }
0xa1: {  	s23 =	simm.s32 $0x1B8B  }
0xa2: {  	_ =	swait.ge [sflag:s23], $0x1  }
0xa3: {  	[sflag:s23] =	ssyncset.done $0x0  }
0xa4: {  	s25 =	simm.s32 $0x1B8E;
	s24 =	sld [smem:$0x3FFE];
	[sflag:s23] =	ssyncadd.s32 $0xFFFFFFFF  }
0xa5: {  	s26 =	simm.s32 $execute0_lowered;
	[smem:$0x3FD2] =	sst s25  }
0xa6: {  	s5 =	sshll.u32 s26, $0x1;
	_ =	strace $0x80000046;
	[dreg:$0x1] =	wrdreg $0xFFFFFFFF  }
0xa7: {  	s28 =	simm.s32 $_size_execute0_lowered;
	s3 =	sadd.s32 s3, s5;
	[dreg:$0x0] =	wrdreg $0x0  }
0xa8: {  	s5 =	sshll.u32 s28, $0x1;
	[dreg:$0x2] =	wrdreg s3  }
0xa9: {  	[dreg:$0x3] =	wrdreg s5  }
0xaa: {  	[dreg:$0x4] =	wrdreg $0xC0  }
0xab: {  	_ =	task [dreg:s7], $0x5FFFF  }
0xac: {  	[dreg:$0x1] =	wrdreg $0xFFFFFFFF  }
0xad: {  	[dreg:$0x0] =	wrdreg $0x60  }
0xae: {  	[dreg:$0x2] =	wrdreg s24  }
0xaf: {  	[dreg:$0x3] =	wrdreg s2  }
0xb0: {  	[dreg:$0x4] =	wrdreg $0x9  }
0xb1: {  	_ =	task.clear_ibuf [dreg:s7], $0x5FFFF;
	_ =	strace $0x90000046  }
0xb2: {  	s29 =	simm.s32 $0x9;
	_ =	strace $0x80000048  }
0xb3: {  	_ =	swait.ge [sflag:s29], $0x1  }
0xb4: {  	[sflag:s29] =	ssyncadd.s32 $0xFFFFFFFF  }
0xb5: {  	_ =	strace $0x90000048  }
0xb6: {  	_ =	sfence  }
0xb7: {  	s30 =	sld [smem:$0x0];
	_ =	sdelay $0x2  }
0xb8: {  	s31 =	sshll.u32 s1, $0xD;
	s1 =	sshrl.u32 s1, $0x2  }
0xb9: {  	s3 =	sand.u32 $0x4000, s31;
	s1 =	sadd.s32 s1, s30  }
0xba: {  	s0 =	sor.u32 s3, s0;
	s1 =	sshll.u32 s1, $0x11  }
0xbb: {  	s0 =	sor.u32 s1, s0  }
0xbc: {  	s0 =	sadd.s32 $0x8F2B, s0  }
0xbd: {  	[sflag:s0] =	ssyncadd.remote.s32 $0x1  }
0xbe: {  	_ =	sfence.sel $0xFFFF  }
0xbf: {  	[dreg:$0x0] =	wrdreg $0xFFFFFFFF;
	(pc) =	sbr.abs _section_cstart, $3  }
0xc0: {  	[dreg:$0x1] =	wrdreg $0xFFFFFFFF  }
0xc1: {  	_ =	task.clear_ibuf [dreg:s7], $0x2FFFF;
	_ =	strace $0x9FFFFFFF  }
0xc2: {  	(tm) =	ssettm $0x7FFFFFFF  }
0xc3: {  	_ =	shalt  }
tec
execute0_lowered:
.L_overlay_start_1:
0x0: {  	(tag) =	ssettag $0x1  }
0x1: {  	s4 =	rddreg [dreg:$0x0]  }
0x2: {  	s9 =	rddreg [dreg:$0x1];
	s2 =	simm.s32 $0x0  }
0x3: {  	s0 =	stileid.u32;
	s3 =	srdreg.scid;
	s15 =	simm.s32 $0x8000  }
0x4: {  	s16 =	simm.s32 $0x80;
	s17 =	simm.s32 $0x4000;
	s18 =	simm.s32 $0x10000  }
0x5: {  	s19 =	simm.s32 $0x4080;
	s20 =	simm.s32 $0x14000;
	s21 =	simm.s32 $0x1  }
0x6: {  	s22 =	simm.s32 $0x3;
	[smem:$0x7FF] =	sst s2;
	s11 =	sand.u32 $0x1, s3  }
0x7: {  	s5 =	sshll.u32 s0, $0x1;
	s3 =	sadd.s32 $0x13000, s4;
	s6 =	sshrl.u32 s0, $0x2  }
0x8: {  	s13 =	sadd.s32 $0x33200, s4;
	s30 =	sshll.u32 s0, $0x12;
	s14 =	sshll.u32 s0, $0xE  }
0x9: {  	_ =	strace $0x80000047;
	s8 =	sor.u32 s11, s5;
	s24 =	sshll.u32 s6, $0xA  }
0xa: {  	s10 =	ssub.s32 $0x2, s11;
	s23 =	sshll.u32 s6, $0xB;
	s31 =	sshll.u32 s11, $0x11  }
0xb: {  	s11 =	sshll.u32 s11, $0xD;
	s7 =	sshll.u32 s8, $0xA;
	s12 =	sadd.s32 s24, s4  }
0xc: {  	s26 =	sshrl.u32 s10, $0x1;
	s28 =	sshll.u32 s8, $0x11;
	s29 =	sshll.u32 s8, $0xC  }
0xd: {  	s11 =	sor.u32 s11, s14;
	s14 =	simm.s32 $0x6000;
	v1 =	vmov s23;
	s23 =	simm.s32 $0x2  }
0xe: {  	s24 =	simm.s32 $0x4;
	s25 =	sadd.s32 s7, s4;
	s10 =	ssub.s32 s10, s26  }
0xf: {  	s6 =	sadd.s32 $0x2000, s12;
	s7 =	sadd.s32 s13, s28;
	s9 =	sadd.s32 s9, s29  }
0x10: {  	s12 =	sadd.s32 s30, s13;
	s13 =	simm.s32 $0x5;
	s4 =	sadd.s32 $0xB000, s25  }
0x11: {  	v0 =	vlaneseq.u32;
	s5 =	sadd.s32 $0x3000, s25;
	s8 =	sadd.s32 $0x1F800, s7;
	s12 =	sadd.s32 s31, s12  }
0x12: {  	v3 =	vimm.s32 $0x0;
	v2 =	vmul.u32 $0x4, v0;
	s10 =	smax.u32 s10, $0x1;
	s25 =	simm.s32 $0x0;
	s12 =	sadd.s32 $0x1000, s12  }
.LBB2_1:
0x13: {  	[tilespmem:s2], [sflag:$0x5] =	stream.linear.gather [hbm4b:s4+s2], $0x2000, $0x38;
	[tilespmem:$0x18000] =	vst v63  }
0x14: {  	_ =	swait.ge [sflag:s13], $0x2000  }
0x15: {  	[sflag:s13] =	ssyncset.done $0x0  }
0x16: {  	s28 =	simm.s32 $0x2000;
	[sflag:s13] =	ssyncadd.s32 $0xFFFFE000  }
0x17: {  	[tilespmem:s28], [sflag:$0x5] =	stream.linear.gather [hbm4b:s5+s2], $0x2000, $0x38;
	[tilespmem:$0x18000] =	vst v63  }
0x18: {  	_ =	swait.ge [sflag:s13], $0x2000  }
0x19: {  	[sflag:s13] =	ssyncset.done $0x0  }
0x1a: {  	[sflag:s13] =	ssyncadd.s32 $0xFFFFE000  }
0x1b: {  	[tilespmem:s14], [sflag:$0x5] =	stream.linear.gather [hbm4b:s6+s2], $0x2000, $0x38;
	[tilespmem:$0x18000] =	vst v63  }
0x1c: {  	s26 =	sadd.s32 $0x0, s11;
	_ =	swait.ge [sflag:s13], $0x2000  }
0x1d: {  	v4 =	vor.u32 s26, v0;
	[sflag:s13] =	ssyncset.done $0x0  }
0x1e: {  	v5 =	vmov s26;
	v4 =	vand.u32 $0x1F, v4;
	[sflag:s13] =	ssyncadd.s32 $0xFFFFE000  }
0x1f: {  	vm0 =	veq.s32 v5, v0;
	vm1 =	vne.s32 v4, $0x0;
	v4 =	vld [tilespmem:s28+$0x0]  }
0x20: {  	v5 =	vshrl.u32 v5, $0x5;
	vm0 =	vmand vm0, vm1;
	v7 =	vld [tilespmem:s2+$0x0]  }
0x21: {  	v5 =	vsub.s32 v5, v1;
	v6 =	vsel vm0, $0xFFFFFFFF, v3  }
0x22: {  	v5 =	vadd.s32 v6, v5  }
0x23: {  	v8 =	vshll.u32 v5, $0x2  }
0x24: {  	v11 =	vor.u32 $0x1, v8;
	v6 =	vor.u32 $0x3, v8  }
0x25: {  	vm15 =	vgt.f32 v4, $5.000000000e-01;
	v5 =	vadd.s32 v1, v7;
	v10 =	vshll.u32 v7, $0x2  }
0x26: {  	v5 =	vnsel vm15, $0x2000, v5;
	v12 =	vor.u32 $0x1, v10  }
0x27: {  	[tilespmem:s17+$0x0] =	vst v5  }
0x28: {  	s29 =	simm.s32 $0x10;
	v5 =	vor.u32 $0x2, v8;
	v7 =	vld.idx.msk [tilespmem:v8+s14+$0x0], $0xffff  }
0x29: {  	s30 =	simm.s32 $0x0;
	s31 =	simm.s32 $0x4000;
	s26 =	simm.s32 $0x0;
	v9 =	vor.u32 $0x3, v10;
	v8 =	vld.idx.msk [tilespmem:v11+s14+$0x0], $0xffff;
	v11 =	vor.u32 $0x2, v10  }
.LBB2_2:
0x2a: {  	v6 =	vld.idx.msk [tilespmem:v6+s14+$0x0], $0xffff;
	s30 =	sadd.s32 $0x10, s30;
	s28 =	sadd.s32 $0x10, s28;
	s31 =	sadd.s32 $0x10, s31  }
0x2b: {  	p0 =	sne.s32 s29, $0x1FF0;
	s0 =	smov.u32 s29;
	s29 =	sadd.s32 $0x10, s29;
	v12 =	vld.idx.msk [tilespmem:v12+s14+$0x0], $0xffff  }
0x2c: {  	s1 =	sadd.s32 s0, s11;
	v10 =	vld.idx.msk [tilespmem:v10+s14+$0x0], $0xffff  }
0x2d: {  	v13 =	vmov s1;
	v14 =	vor.u32 s1, v0;
	v15 =	vld.idx.msk [tilespmem:v5+s14+$0x0], $0xffff  }
0x2e: {  	v5 =	vshrl.u32 v13, $0x5;
	v14 =	vand.u32 $0x1F, v14;
	v11 =	vld.idx.msk [tilespmem:v11+s14+$0x0], $0xffff  }
0x2f: {  	vm0 =	veq.s32 v13, v0;
	vm1 =	vne.s32 v14, $0x0;
	v9 =	vld.idx.msk [tilespmem:v9+s14+$0x0], $0xffff  }
0x30: {  	v13 =	vmov s26;
	s26 =	smov.u32 s0;
	vm0 =	vmand vm0, vm1  }
0x31: {  	v5 =	vsub.s32 v5, v1;
	v14 =	vsel vm0, $0xFFFFFFFF, v3;
	v8 =	vsub.f32 v12, v8  }
0x32: {  	v12 =	vshll.u32 v13, $0x2;
	v5 =	vadd.s32 v14, v5;
	v7 =	vsub.f32 v10, v7  }
0x33: {  	v10 =	vor.u32 v2, v12;
	v13 =	vshll.u32 v5, $0x2;
	v12 =	vmul.f32 v8, v4  }
0x34: {  	v8 =	vmul.f32 v8, v8;
	v14 =	vor.u32 $0x1, v13;
	v16 =	vmul.f32 v7, v7  }
0x35: {  	v5 =	vor.u32 $0x2, v13;
	v11 =	vsub.f32 v11, v15;
	v9 =	vsub.f32 v9, v6  }
0x36: {  	v7 =	vmul.f32 v7, v4;
	v6 =	vor.u32 $0x3, v13;
	v8 =	vadd.f32 v8, v16  }
0x37: {  	v15 =	vor.u32 $0x1, v10;
	v11 =	vmul.f32 v11, v11;
	v9 =	vmul.f32 v9, v9  }
0x38: {  	v8 =	vadd.f32 $9.999999960e-13, v8;
	[tilespmem:v10+s15+$0x0] =	vst.idx.msk $0xffff, v7  }
0x39: {  	v7 =	vadd.f32 v9, v11  }
0x3a: {  	v9 =	vshrl.u32 v8, $0x1;
	v11 =	vmul.f32 $5.000000000e-01, v8  }
0x3b: {  	v9 =	vsub.s32 $0x5F3759DF, v9;
	v7 =	vadd.f32 $9.999999960e-13, v7  }
0x3c: {  	v16 =	vmul.f32 v9, v11;
	[tilespmem:v15+s15+$0x0] =	vst.idx.msk $0xffff, v12  }
0x3d: {  	v12 =	vshrl.u32 v7, $0x1;
	v15 =	vmul.f32 $5.000000000e-01, v7  }
0x3e: {  	v16 =	vmul.f32 v9, v16;
	v12 =	vsub.s32 $0x5F3759DF, v12  }
0x3f: {  	v17 =	vmul.f32 v12, v15  }
0x40: {  	v16 =	vsub.f32 $1.500000000e+00, v16  }
0x41: {  	v17 =	vmul.f32 v12, v17  }
0x42: {  	v9 =	vmul.f32 v9, v16  }
0x43: {  	v16 =	vsub.f32 $1.500000000e+00, v17  }
0x44: {  	v17 =	vmul.f32 v9, v11  }
0x45: {  	v12 =	vmul.f32 v12, v16  }
0x46: {  	v16 =	vmul.f32 v17, v9  }
0x47: {  	v17 =	vmul.f32 v12, v15  }
0x48: {  	v16 =	vsub.f32 $1.500000000e+00, v16  }
0x49: {  	v17 =	vmul.f32 v17, v12  }
0x4a: {  	v9 =	vmul.f32 v16, v9  }
0x4b: {  	v16 =	vsub.f32 $1.500000000e+00, v17  }
0x4c: {  	v11 =	vmul.f32 v9, v11  }
0x4d: {  	v12 =	vmul.f32 v16, v12  }
0x4e: {  	v11 =	vmul.f32 v11, v9  }
0x4f: {  	v15 =	vmul.f32 v12, v15  }
0x50: {  	v11 =	vsub.f32 $1.500000000e+00, v11  }
0x51: {  	v15 =	vmul.f32 v15, v12  }
0x52: {  	v9 =	vmul.f32 v11, v9  }
0x53: {  	v11 =	vsub.f32 $1.500000000e+00, v15  }
0x54: {  	v8 =	vmul.f32 v9, v8  }
0x55: {  	v9 =	vmul.f32 v11, v12;
	v11 =	vor.u32 $0x2, v10  }
0x56: {  	v10 =	vor.u32 $0x3, v10;
	v8 =	vadd.f32 $9.999999970e-07, v8  }
0x57: {  	v7 =	vmul.f32 v9, v7  }
0x58: {  	v8 =	vmul.f32 v8, v4  }
0x59: {  	v4 =	vmul.f32 v7, v4  }
0x5a: {  	[tilespmem:v11+s15+$0x0] =	vst.idx.msk $0xffff, v8  }
0x5b: {  	[tilespmem:v10+s15+$0x0] =	vst.idx.msk $0xffff, v4;
	_ =	sdelay $0x1  }
0x5c: {  	v4 =	vld [tilespmem:s28+$0x0]  }
0x5d: {  	v7 =	vld [tilespmem:s30+$0x0];
	_ =	sdelay $0x3  }
0x5e: {  	vm0 =	vgt.f32 v4, $5.000000000e-01  }
.Ltmp0:
0x5f: {  	v8 =	vadd.s32 v1, v7;
	v10 =	vshll.u32 v7, $0x2;
	(pc) =	sbr.rel @p0 .LBB2_2-.Ltmp0, $4  }
0x60: {  	v7 =	vnsel vm0, $0x2000, v8;
	v12 =	vor.u32 $0x1, v10;
	v9 =	vor.u32 $0x3, v10  }
0x61: {  	[tilespmem:s31+$0x0] =	vst v7  }
0x62: {  	v7 =	vld.idx.msk [tilespmem:v13+s14+$0x0], $0xffff  }
0x63: {  	v11 =	vor.u32 $0x2, v10;
	v8 =	vld.idx.msk [tilespmem:v14+s14+$0x0], $0xffff  }
0x64: {  	_ =	sdelay $0x3  }
0x65: {  	v6 =	vld.idx.msk [tilespmem:v6+s14+$0x0], $0xffff  }
0x66: {  	v12 =	vld.idx.msk [tilespmem:v12+s14+$0x0], $0xffff  }
0x67: {  	v10 =	vld.idx.msk [tilespmem:v10+s14+$0x0], $0xffff  }
0x68: {  	v5 =	vld.idx.msk [tilespmem:v5+s14+$0x0], $0xffff  }
0x69: {  	v11 =	vld.idx.msk [tilespmem:v11+s14+$0x0], $0xffff  }
0x6a: {  	v9 =	vld.idx.msk [tilespmem:v9+s14+$0x0], $0xffff;
	_ =	sdelay $0x1  }
0x6b: {  	v8 =	vsub.f32 v12, v8;
	v7 =	vsub.f32 v10, v7;
	_ =	sdelay $0x1  }
0x6c: {  	v10 =	vmul.f32 v7, v7;
	v12 =	vmul.f32 v8, v8  }
0x6d: {  	v5 =	vsub.f32 v11, v5;
	v6 =	vsub.f32 v9, v6  }
0x6e: {  	v49 =	vadd.f32 v12, v10  }
0x6f: {  	v5 =	vmul.f32 v5, v5;
	v6 =	vmul.f32 v6, v6  }
0x70: {  	v9 =	vadd.f32 $9.999999960e-13, v49  }
0x71: {  	v5 =	vadd.f32 v6, v5  }
0x72: {  	v50 =	vshrl.u32 v9, $0x1;
	v51 =	vmul.f32 $5.000000000e-01, v9  }
0x73: {  	v5 =	vadd.f32 $9.999999960e-13, v5;
	v6 =	vsub.s32 $0x5F3759DF, v50  }
0x74: {  	v52 =	vmul.f32 v6, v51  }
0x75: {  	v53 =	vshrl.u32 v5, $0x1;
	v13 =	vmul.f32 $5.000000000e-01, v5  }
0x76: {  	v12 =	vsub.s32 $0x5F3759DF, v53;
	v11 =	vmul.f32 v6, v52  }
0x77: {  	v14 =	vmul.f32 v12, v13  }
0x78: {  	v11 =	vsub.f32 $1.500000000e+00, v11  }
0x79: {  	v14 =	vmul.f32 v12, v14  }
0x7a: {  	v6 =	vmul.f32 v6, v11  }
0x7b: {  	v54 =	vsub.f32 $1.500000000e+00, v14  }
0x7c: {  	v55 =	vmul.f32 v6, v51  }
0x7d: {  	v11 =	vmul.f32 v12, v54  }
0x7e: {  	v56 =	vmul.f32 v55, v6  }
0x7f: {  	v57 =	vmul.f32 v11, v13  }
0x80: {  	v12 =	vsub.f32 $1.500000000e+00, v56  }
0x81: {  	v14 =	vmul.f32 v57, v11  }
0x82: {  	v6 =	vmul.f32 v12, v6  }
0x83: {  	v58 =	vsub.f32 $1.500000000e+00, v14  }
0x84: {  	v10 =	vmul.f32 v6, v51  }
0x85: {  	v11 =	vmul.f32 v58, v11  }
0x86: {  	v10 =	vmul.f32 v10, v6  }
0x87: {  	v12 =	vmul.f32 v11, v13  }
0x88: {  	v10 =	vsub.f32 $1.500000000e+00, v10  }
0x89: {  	v59 =	vmov s26;
	v12 =	vmul.f32 v12, v11  }
0x8a: {  	v13 =	vshll.u32 v59, $0x2;
	v6 =	vmul.f32 v10, v6  }
0x8b: {  	v60 =	vor.u32 v2, v13;
	v12 =	vsub.f32 $1.500000000e+00, v12  }
0x8c: {  	v13 =	vor.u32 $0x1, v60;
	v6 =	vmul.f32 v6, v9  }
0x8d: {  	v62 =	vor.u32 $0x2, v60;
	v61 =	vmul.f32 v12, v11  }
0x8e: {  	v7 =	vmul.f32 v7, v4;
	v63 =	vor.u32 $0x3, v60;
	v6 =	vadd.f32 $9.999999970e-07, v6  }
0x8f: {  	v8 =	vmul.f32 v8, v4;
	v5 =	vmul.f32 v61, v5  }
0x90: {  	[tilespmem:v60+s15+$0x0] =	vst.idx.msk $0xffff, v7;
	v6 =	vmul.f32 v6, v4  }
0x91: {  	[tilespmem:v13+s15+$0x0] =	vst.idx.msk $0xffff, v8;
	v4 =	vmul.f32 v5, v4  }
0x92: {  	[tilespmem:v62+s15+$0x0] =	vst.idx.msk $0xffff, v6  }
0x93: {  	[tilespmem:v63+s15+$0x0] =	vst.idx.msk $0xffff, v4  }
0x94: {  	[tilespmem:s18], [sflag:$0x1] =	stream.indirect.gather [hbm4b:s3+s16], $0x80, s17, s16, $0xb8;
	[tilespmem:$0x18000] =	vst v63  }
0x95: {  	_ = 	snop  }
0x96: {  	[tilespmem:s20], [sflag:$0x2] =	stream.indirect.gather [hbm4b:s3+s16], $0x80, s19, s16, $0xb8;
	[tilespmem:$0x18000] =	vst v63  }
0x97: {  	_ =	swait.ge [sflag:s21], $0x4000  }
0x98: {  	[sflag:s21] =	ssyncset.done $0x0  }
0x99: {  	s0 =	simm.s32 $0x0;
	[sflag:s21] =	ssyncadd.s32 $0xFFFFC000  }
0x9a: {  	[hbm4b:s7+s0] =	stream.linear.scatter [tilespmem:s18], [sflag:$0x3], $0x4000, $0x38;
	[tilespmem:$0x18000] =	vst v63  }
0x9b: {  	_ =	swait.ge [sflag:s22], $0x4000  }
0x9c: {  	[sflag:s22] =	ssyncset.done $0x0  }
0x9d: {  	s26 =	simm.s32 $0x4100;
	[sflag:s22] =	ssyncadd.s32 $0xFFFFC000  }
0x9e: {  	[tilespmem:s18], [sflag:$0x1] =	stream.indirect.gather [hbm4b:s3+s16], $0x80, s26, s16, $0xb8;
	[tilespmem:$0x18000] =	vst v63  }
0x9f: {  	_ =	swait.ge [sflag:s23], $0x4000  }
0xa0: {  	[sflag:s23] =	ssyncset.done $0x0  }
0xa1: {  	s30 =	sadd.s32 $0xFFFFF800, s12;
	[sflag:s23] =	ssyncadd.s32 $0xFFFFC000  }
0xa2: {  	[hbm4b:s30+s2] =	stream.linear.scatter [tilespmem:s20], [sflag:$0x4], $0x4000, $0x38;
	[tilespmem:$0x18000] =	vst v63  }
0xa3: {  	_ =	swait.ge [sflag:s24], $0x4000  }
0xa4: {  	[sflag:s24] =	ssyncset.done $0x0  }
0xa5: {  	s31 =	simm.s32 $0x4180;
	[sflag:s24] =	ssyncadd.s32 $0xFFFFC000  }
0xa6: {  	[tilespmem:s20], [sflag:$0x2] =	stream.indirect.gather [hbm4b:s3+s16], $0x80, s31, s16, $0xb8;
	[tilespmem:$0x18000] =	vst v63  }
0xa7: {  	_ =	swait.ge [sflag:s21], $0x4000  }
0xa8: {  	s28 =	sadd.s32 $0x1000, s12;
	[sflag:s21] =	ssyncset.done $0x0  }
0xa9: {  	s29 =	smov.u32 s12;
	s26 =	simm.s32 $0x400;
	[sflag:s21] =	ssyncadd.s32 $0xFFFFC000  }
.LBB2_4:
0xaa: {  	[hbm4b:s29+s2] =	stream.linear.scatter [tilespmem:s18], [sflag:$0x3], $0x4000, $0x38;
	[tilespmem:$0x18000] =	vst v63  }
0xab: {  	s0 =	smov.u32 s26;
	s29 =	smov.u32 s28  }
0xac: {  	p0 =	sne.s32 s26, $0x7800;
	s26 =	sadd.s32 $0x400, s26;
	_ =	swait.ge [sflag:s22], $0x4000  }
0xad: {  	s0 =	sshra.s32 s0, $0x2;
	[sflag:s22] =	ssyncset.done $0x0  }
0xae: {  	s1 =	sadd.s32 $0x4100, s0;
	[sflag:s22] =	ssyncadd.s32 $0xFFFFC000  }
0xaf: {  	[tilespmem:s18], [sflag:$0x1] =	stream.indirect.gather [hbm4b:s3+s16], $0x80, s1, s16, $0xb8;
	[tilespmem:$0x18000] =	vst v63  }
0xb0: {  	_ =	swait.ge [sflag:s23], $0x4000  }
0xb1: {  	[sflag:s23] =	ssyncset.done $0x0  }
0xb2: {  	s1 =	sadd.s32 $0xFFFFF800, s28;
	[sflag:s23] =	ssyncadd.s32 $0xFFFFC000  }
0xb3: {  	[hbm4b:s1+s2] =	stream.linear.scatter [tilespmem:s20], [sflag:$0x4], $0x4000, $0x38;
	[tilespmem:$0x18000] =	vst v63  }
0xb4: {  	_ =	swait.ge [sflag:s24], $0x4000  }
0xb5: {  	[sflag:s24] =	ssyncset.done $0x0  }
.Ltmp1:
0xb6: {  	s0 =	sadd.s32 $0x4180, s0;
	[sflag:s24] =	ssyncadd.s32 $0xFFFFC000;
	(pc) =	sbr.rel @p0 .LBB2_4-.Ltmp1, $4  }
0xb7: {  	[tilespmem:s20], [sflag:$0x2] =	stream.indirect.gather [hbm4b:s3+s16], $0x80, s0, s16, $0xb8;
	[tilespmem:$0x18000] =	vst v63  }
0xb8: {  	_ =	swait.ge [sflag:s21], $0x4000  }
0xb9: {  	[sflag:s21] =	ssyncset.done $0x0  }
0xba: {  	s28 =	sadd.s32 $0x1000, s28;
	[sflag:s21] =	ssyncadd.s32 $0xFFFFC000  }
0xbb: {  	[hbm4b:s29+s2] =	stream.linear.scatter [tilespmem:s18], [sflag:$0x3], $0x4000, $0x38;
	[tilespmem:$0x18000] =	vst v63  }
0xbc: {  	_ =	swait.ge [sflag:s23], $0x4000  }
0xbd: {  	[sflag:s23] =	ssyncset.done $0x0  }
0xbe: {  	[sflag:s23] =	ssyncadd.s32 $0xFFFFC000  }
0xbf: {  	[hbm4b:s8+s2] =	stream.linear.scatter [tilespmem:s20], [sflag:$0x4], $0x4000, $0x38;
	[tilespmem:$0x18000] =	vst v63  }
0xc0: {  	_ =	swait.ge [sflag:s22], $0x4000  }
0xc1: {  	[sflag:s22] =	ssyncset.done $0x0  }
0xc2: {  	[sflag:s22] =	ssyncadd.s32 $0xFFFFC000  }
0xc3: {  	s25 =	sadd.s32 $0x1, s25;
	_ =	swait.ge [sflag:s24], $0x4000  }
0xc4: {  	p0 =	sne.s32 s25, s10;
	[sflag:s24] =	ssyncset.done $0x0  }
.Ltmp2:
0xc5: {  	[sflag:s24] =	ssyncadd.s32 $0xFFFFC000;
	(pc) =	sbr.rel @p0 .LBB2_1-.Ltmp2, $4  }
0xc6: {  	[hbm4b:s9+s2] =	stream.linear.scatter [tilespmem:s15], [sflag:$0x5], $0x8000, $0x38;
	[tilespmem:$0x18000] =	vst v63  }
0xc7: {  	_ =	swait.ge [sflag:s13], $0x8000  }
0xc8: {  	[sflag:s13] =	ssyncset.done $0x0  }
0xc9: {  	[sflag:s13] =	ssyncadd.s32 $0xFFFF8000  }
0xca: {  	_ =	sfence.sel $0x180000  }
0xcb: {  	[bflag:$0x0] =	sbarrier.arrive $0xFFFF  }
0xcc: {  	_ =	strace $0x90000047  }
0xcd: {  	s0 =	stileid.u32;
	[bflag:$0x2] =	sbarrier.arrive $0xFFFF  }
0xce: {  	p0 =	sne.s32 s0, $0x0;
	s0 =	rddreg [dreg:$0x2]  }
0xcf: {  	s0 =	sadd.s32 @!p0 $0x100000, s0  }
0xd0: {  	[sflag:s0] =	ssyncadd.tile.s32 @!p0 $0x1;
	_ =	shalt  }
.Lfunc_end2:
_tile_overlayer_lowered:
.L_overlay_start_2:
0xd1: {  	(tag) =	ssettag $0x2  }
0xd2: {  	s0 =	rddreg [dreg:$0x0];
	s2 =	stileid.u32  }
0xd3: {  	s1 =	rddreg [dreg:$0x1];
	p0 =	sne.s32 s2, $0x0  }
0xd4: {  	s3 =	rddreg [dreg:$0x2];
	[bflag:$0x3] =	sbarrier.arrive $0xFFFF;
	s2 =	simm.s32 @!p0 $0x1C05  }
0xd5: {  	[timem:s3], [sflag:s2] =	dma.local @!p0 [hbm:s0], s1  }
0xd6: {  	s0 =	simm.s32 @!p0 $0x5  }
0xd7: {  	_ =	swait.ge @!p0 [sflag:s0], s1  }
0xd8: {  	s1 =	ssub.s32 @!p0 $0x0, s1;
	[sflag:s0] =	ssyncset.done @!p0 $0x0  }
0xd9: {  	[sflag:s0] =	ssyncadd.s32 @!p0 s1  }
0xda: {  	[bflag:$0x3] =	sbarrier.arrive $0xFFFF  }
0xdb: {  	_ =	shalt  }

</sc_bundles>
